<compile_context>
chip_gen: v7x
topology: tpu7x:2x2x1
jax: 0.10.2.dev20260603
libtpu: 0.0.44.dev20260713+nightly
codegen_flags: <defaults>
</compile_context>

<pallas_src>
import functools

import jax
import jax.numpy as jnp
from jax import lax
from jax.experimental import pallas as pl
from jax.experimental.pallas import tpu as pltpu
from jax.experimental.pallas import tpu_sc as plsc

L = 16
NUM_BITS = 8
PERM_SIZE = 256
META_SIZE = 3 * L + PERM_SIZE
BLOCK_ROWS = 16
NBUF = 8
LOOKAHEAD = 6


def _body(num_workers, n_rows, n_cols, x_hbm, meta_hbm, out_hbm,
          meta_v, *rest):
    wid = lax.axis_index("s") * 2 + lax.axis_index("c")
    rows_per_worker = n_rows // num_workers
    n_blocks = rows_per_worker // BLOCK_ROWS
    bufs = rest[:NBUF]
    in_sems = rest[NBUF:2 * NBUF]
    out_sems = rest[2 * NBUF:3 * NBUF]

    base = wid * rows_per_worker

    def in_slice(b):
        return x_hbm.at[pl.ds(base + b * BLOCK_ROWS, BLOCK_ROWS)]

    def out_slice(b):
        return out_hbm.at[pl.ds(base + b * BLOCK_ROWS, BLOCK_ROWS)]

    for p in range(LOOKAHEAD):
        pltpu.async_copy(in_slice(p), bufs[p], in_sems[p])

    pltpu.sync_copy(meta_hbm, meta_v)

    iota = lax.iota(jnp.int32, L)
    col_b = [plsc.load_gather(meta_v, [jnp.full((L,), L + j, jnp.int32)])
             for j in range(NUM_BITS)]
    bit_b = [plsc.load_gather(meta_v, [jnp.full((L,), 2 * L + j, jnp.int32)])
             for j in range(NUM_BITS)]
    perm_off = jnp.full((L,), 3 * L, jnp.int32)

    def compute(slot):
        buf = bufs[slot]
        for g in range(BLOCK_ROWS // L):
            rows = jnp.full((L,), g * L, jnp.int32) + iota
            v = jnp.zeros((L,), jnp.int32)
            for j in range(NUM_BITS):
                flag = plsc.load_gather(buf, [rows, col_b[j]])
                v = v + flag * bit_b[j]
            pv = plsc.load_gather(meta_v, [perm_off + v])
            for j in range(NUM_BITS):
                nb = jnp.where((pv & bit_b[j]) != 0,
                               jnp.full((L,), 1, jnp.int32),
                               jnp.full((L,), 0, jnp.int32))
                plsc.store_scatter(buf, [rows, col_b[j]], nb)

    slack = NBUF - LOOKAHEAD

    @pl.loop(0, n_blocks, step=NBUF)
    def _(step):
        for sub in range(NBUF):
            b = step + sub
            slot = sub
            nxt = (sub + LOOKAHEAD) % NBUF
            pltpu.make_async_copy(in_slice(b), bufs[slot],
                                  in_sems[slot]).wait()
            compute(slot)
            pltpu.async_copy(bufs[slot], out_slice(b), out_sems[slot])

            @pl.when(b + LOOKAHEAD < n_blocks)
            def _():
                @pl.when(b >= slack)
                def _():
                    pltpu.make_async_copy(bufs[nxt], out_slice(b - slack),
                                          out_sems[nxt]).wait()
                pltpu.async_copy(in_slice(b + LOOKAHEAD), bufs[nxt],
                                 in_sems[nxt])

    for b in range(n_blocks - NBUF, n_blocks):
        slot = b % NBUF
        pltpu.make_async_copy(bufs[slot], out_slice(b),
                              out_sems[slot]).wait()


def _build(n_rows, n_cols, num_workers, interpret=False):
    mesh = plsc.VectorSubcoreMesh(core_axis_name="c", subcore_axis_name="s")
    return pl.kernel(
        functools.partial(_body, num_workers, n_rows, n_cols),
        mesh=mesh,
        out_type=jax.ShapeDtypeStruct((n_rows, n_cols), jnp.int32),
        compiler_params=pltpu.CompilerParams(needs_layout_passes=False),
        interpret=interpret,
        scratch_types=(
            [pltpu.VMEM((META_SIZE,), jnp.int32)]
            + [pltpu.VMEM((BLOCK_ROWS, n_cols), jnp.int32)
               for _ in range(NBUF)]
            + [pltpu.SemaphoreType.DMA for _ in range(2 * NBUF)]
        ),
    )


def kernel(x, indices, perm, bits):
    n_rows, n_cols = x.shape
    info = plsc.get_sparse_core_info()
    num_workers = info.num_cores * info.num_subcores

    pad = jnp.zeros((L - NUM_BITS,), jnp.int32)
    meta = jnp.concatenate([jnp.zeros((L,), jnp.int32),
                            indices.astype(jnp.int32), pad,
                            bits.astype(jnp.int32), pad,
                            perm.astype(jnp.int32)])
    f = _build(n_rows, n_cols, num_workers)
    return f(x, meta)

# --- scband reference (transcript-rebuilt; emitter-appended) ---
"""Pipeline reference for scband-transform-6502580486374 (READ-ONLY COPY).

The authoritative reference and input builder live on the scoring server;
editing this copy changes nothing except your own understanding.
"""

import jax, jax.numpy as jnp
import numpy as np

N = 65536
K = 512
NUM_BITS = 8
INDICES = [3, 71, 140, 205, 267, 333, 402, 477]


def setup_inputs(seed: int = 0) -> dict:
    key = jax.random.key(seed)
    x = jax.random.randint(key, (N, K), 0, 2, dtype=jnp.int32)
    indices = jnp.array(INDICES, dtype=jnp.int32)
    perm = jnp.arange(2 ** NUM_BITS - 1, -1, -1, dtype=jnp.int32)  # reversal permutation of [0, 256)
    bits = 2 ** jnp.arange(NUM_BITS, dtype=jnp.int32)
    return {"x": x, "indices": indices, "perm": perm, "bits": bits}


def reference(x, indices, perm, bits):
    # flags = x[:, self.indices]  -> gather of the joint bit columns
    flags = x[:, indices]
    # values = einsum('ij,j->i', flags.long(), self.bits) -> pack bits into an integer code
    values = jnp.einsum('ij,j->i', flags.astype(jnp.int32), bits)
    # permuted = self.perm[values] -> table lookup (gather)
    permuted = perm[values]
    # out = x.clone(); out[:, self.indices] = permuted.unsqueeze(-1) & self.bits != 0 -> scatter-overwrite
    new_bits = ((permuted[:, None] & bits) != 0).astype(x.dtype)
    out = x.at[:, indices].set(new_bits)
    return out

if __name__ == "__main__":
    import jax
    _d = setup_inputs()
    print(jax.jit(kernel)(*tuple(_d.values())))

</pallas_src>

<mosaic_0001>
#map = affine_map<(d0, d1) -> (0, 0)>
#map1 = affine_map<(d0, d1) -> (0)>
module attributes {stable_mosaic.version = 14 : i64} {
  func.func @_body(%arg0: i32, %arg1: i32, %arg2: memref<65536x512xi32, #tpu.memory_space<hbm>>, %arg3: memref<304xi32, #tpu.memory_space<hbm>>, %arg4: memref<65536x512xi32, #tpu.memory_space<hbm>>, %arg5: memref<304xi32, #tpu.memory_space<vmem>>, %arg6: memref<16x512xi32, #tpu.memory_space<vmem>>, %arg7: memref<16x512xi32, #tpu.memory_space<vmem>>, %arg8: memref<16x512xi32, #tpu.memory_space<vmem>>, %arg9: memref<16x512xi32, #tpu.memory_space<vmem>>, %arg10: memref<16x512xi32, #tpu.memory_space<vmem>>, %arg11: memref<16x512xi32, #tpu.memory_space<vmem>>, %arg12: memref<16x512xi32, #tpu.memory_space<vmem>>, %arg13: memref<16x512xi32, #tpu.memory_space<vmem>>, %arg14: memref<!tpu.dma_semaphore, #tpu.memory_space<semaphore_mem>>, %arg15: memref<!tpu.dma_semaphore, #tpu.memory_space<semaphore_mem>>, %arg16: memref<!tpu.dma_semaphore, #tpu.memory_space<semaphore_mem>>, %arg17: memref<!tpu.dma_semaphore, #tpu.memory_space<semaphore_mem>>, %arg18: memref<!tpu.dma_semaphore, #tpu.memory_space<semaphore_mem>>, %arg19: memref<!tpu.dma_semaphore, #tpu.memory_space<semaphore_mem>>, %arg20: memref<!tpu.dma_semaphore, #tpu.memory_space<semaphore_mem>>, %arg21: memref<!tpu.dma_semaphore, #tpu.memory_space<semaphore_mem>>, %arg22: memref<!tpu.dma_semaphore, #tpu.memory_space<semaphore_mem>>, %arg23: memref<!tpu.dma_semaphore, #tpu.memory_space<semaphore_mem>>, %arg24: memref<!tpu.dma_semaphore, #tpu.memory_space<semaphore_mem>>, %arg25: memref<!tpu.dma_semaphore, #tpu.memory_space<semaphore_mem>>, %arg26: memref<!tpu.dma_semaphore, #tpu.memory_space<semaphore_mem>>, %arg27: memref<!tpu.dma_semaphore, #tpu.memory_space<semaphore_mem>>, %arg28: memref<!tpu.dma_semaphore, #tpu.memory_space<semaphore_mem>>, %arg29: memref<!tpu.dma_semaphore, #tpu.memory_space<semaphore_mem>>) attributes {dimension_semantics = [#tpu.dimension_semantics<core_parallel>, #tpu.dimension_semantics<subcore_parallel>], iteration_bounds = array<i64: 2, 16>, scalar_prefetch = 0 : i64, scratch_operands = 25 : i64, tpu.core_type = #tpu.core_type<sc_vector_subcore>, window_params = [{transform_indices = #map}, {transform_indices = #map1}, {transform_indices = #map}]} {
    %mul3A = arith.constant 2 : i32
    %mul3A_0 = arith.muli %arg1, %mul3A : i32
    %add3A = arith.addi %mul3A_0, %arg0 : i32
    %mul3A_1 = arith.constant 2048 : i32
    %mul3A_2 = arith.muli %add3A, %mul3A_1 : i32
    %add3A_3 = arith.constant 0 : i32
    %add3A_4 = arith.addi %mul3A_2, %add3A_3 : i32
    %dma_start3A = arith.constant 0 : i32
    %dma_start3A_5 = tpu.memref_slice %arg2[%add3A_4, %dma_start3A] : memref<65536x512xi32, #tpu.memory_space<hbm>> -> memref<16x512xi32, #tpu.memory_space<hbm>>
    %dma_start3A_6 = arith.constant 0 : i32
    %dma_start3A_7 = tpu.memref_slice %arg2[%add3A_4, %dma_start3A_6] : memref<65536x512xi32, #tpu.memory_space<hbm>> -> memref<16x512xi32, #tpu.memory_space<hbm>>
    tpu.enqueue_dma source(%dma_start3A_7 : memref<16x512xi32, #tpu.memory_space<hbm>>) target(%arg6 : memref<16x512xi32, #tpu.memory_space<vmem>>) target_semaphore(%arg14 : memref<!tpu.dma_semaphore, #tpu.memory_space<semaphore_mem>>)
    %add3A_8 = arith.constant 16 : i32
    %add3A_9 = arith.addi %mul3A_2, %add3A_8 : i32
    %dma_start3A_10 = arith.constant 0 : i32
    %dma_start3A_11 = tpu.memref_slice %arg2[%add3A_9, %dma_start3A_10] : memref<65536x512xi32, #tpu.memory_space<hbm>> -> memref<16x512xi32, #tpu.memory_space<hbm>>
    %dma_start3A_12 = arith.constant 0 : i32
    %dma_start3A_13 = tpu.memref_slice %arg2[%add3A_9, %dma_start3A_12] : memref<65536x512xi32, #tpu.memory_space<hbm>> -> memref<16x512xi32, #tpu.memory_space<hbm>>
    tpu.enqueue_dma source(%dma_start3A_13 : memref<16x512xi32, #tpu.memory_space<hbm>>) target(%arg7 : memref<16x512xi32, #tpu.memory_space<vmem>>) target_semaphore(%arg15 : memref<!tpu.dma_semaphore, #tpu.memory_space<semaphore_mem>>)
    %add3A_14 = arith.constant 32 : i32
    %add3A_15 = arith.addi %mul3A_2, %add3A_14 : i32
    %dma_start3A_16 = arith.constant 0 : i32
    %dma_start3A_17 = tpu.memref_slice %arg2[%add3A_15, %dma_start3A_16] : memref<65536x512xi32, #tpu.memory_space<hbm>> -> memref<16x512xi32, #tpu.memory_space<hbm>>
    %dma_start3A_18 = arith.constant 0 : i32
    %dma_start3A_19 = tpu.memref_slice %arg2[%add3A_15, %dma_start3A_18] : memref<65536x512xi32, #tpu.memory_space<hbm>> -> memref<16x512xi32, #tpu.memory_space<hbm>>
    tpu.enqueue_dma source(%dma_start3A_19 : memref<16x512xi32, #tpu.memory_space<hbm>>) target(%arg8 : memref<16x512xi32, #tpu.memory_space<vmem>>) target_semaphore(%arg16 : memref<!tpu.dma_semaphore, #tpu.memory_space<semaphore_mem>>)
    %add3A_20 = arith.constant 48 : i32
    %add3A_21 = arith.addi %mul3A_2, %add3A_20 : i32
    %dma_start3A_22 = arith.constant 0 : i32
    %dma_start3A_23 = tpu.memref_slice %arg2[%add3A_21, %dma_start3A_22] : memref<65536x512xi32, #tpu.memory_space<hbm>> -> memref<16x512xi32, #tpu.memory_space<hbm>>
    %dma_start3A_24 = arith.constant 0 : i32
    %dma_start3A_25 = tpu.memref_slice %arg2[%add3A_21, %dma_start3A_24] : memref<65536x512xi32, #tpu.memory_space<hbm>> -> memref<16x512xi32, #tpu.memory_space<hbm>>
    tpu.enqueue_dma source(%dma_start3A_25 : memref<16x512xi32, #tpu.memory_space<hbm>>) target(%arg9 : memref<16x512xi32, #tpu.memory_space<vmem>>) target_semaphore(%arg17 : memref<!tpu.dma_semaphore, #tpu.memory_space<semaphore_mem>>)
    %add3A_26 = arith.constant 64 : i32
    %add3A_27 = arith.addi %mul3A_2, %add3A_26 : i32
    %dma_start3A_28 = arith.constant 0 : i32
    %dma_start3A_29 = tpu.memref_slice %arg2[%add3A_27, %dma_start3A_28] : memref<65536x512xi32, #tpu.memory_space<hbm>> -> memref<16x512xi32, #tpu.memory_space<hbm>>
    %dma_start3A_30 = arith.constant 0 : i32
    %dma_start3A_31 = tpu.memref_slice %arg2[%add3A_27, %dma_start3A_30] : memref<65536x512xi32, #tpu.memory_space<hbm>> -> memref<16x512xi32, #tpu.memory_space<hbm>>
    tpu.enqueue_dma source(%dma_start3A_31 : memref<16x512xi32, #tpu.memory_space<hbm>>) target(%arg10 : memref<16x512xi32, #tpu.memory_space<vmem>>) target_semaphore(%arg18 : memref<!tpu.dma_semaphore, #tpu.memory_space<semaphore_mem>>)
    %add3A_32 = arith.constant 80 : i32
    %add3A_33 = arith.addi %mul3A_2, %add3A_32 : i32
    %dma_start3A_34 = arith.constant 0 : i32
    %dma_start3A_35 = tpu.memref_slice %arg2[%add3A_33, %dma_start3A_34] : memref<65536x512xi32, #tpu.memory_space<hbm>> -> memref<16x512xi32, #tpu.memory_space<hbm>>
    %dma_start3A_36 = arith.constant 0 : i32
    %dma_start3A_37 = tpu.memref_slice %arg2[%add3A_33, %dma_start3A_36] : memref<65536x512xi32, #tpu.memory_space<hbm>> -> memref<16x512xi32, #tpu.memory_space<hbm>>
    tpu.enqueue_dma source(%dma_start3A_37 : memref<16x512xi32, #tpu.memory_space<hbm>>) target(%arg11 : memref<16x512xi32, #tpu.memory_space<vmem>>) target_semaphore(%arg19 : memref<!tpu.dma_semaphore, #tpu.memory_space<semaphore_mem>>)
    "tpu.region"() ({
      %run_scoped3A = tpu.sem_alloc : memref<!tpu.dma_semaphore, #tpu.memory_space<semaphore_mem>>
      tpu.enqueue_dma source(%arg3 : memref<304xi32, #tpu.memory_space<hbm>>) target(%arg5 : memref<304xi32, #tpu.memory_space<vmem>>) target_semaphore(%run_scoped3A : memref<!tpu.dma_semaphore, #tpu.memory_space<semaphore_mem>>)
      tpu.wait_dma2 semaphore(%run_scoped3A : memref<!tpu.dma_semaphore, #tpu.memory_space<semaphore_mem>>) src(%arg3 : memref<304xi32, #tpu.memory_space<hbm>>) dst(%arg5 : memref<304xi32, #tpu.memory_space<vmem>>)
      tpu.yield
    }) : () -> ()
    %iota3A = tpu.iota {dimensions = array<i32: 0>} : vector<16xi32>
    %broadcast_in_dim3A = arith.constant 16 : i32
    %broadcast_in_dim3A_38 = vector.broadcast %broadcast_in_dim3A : i32 to vector<16xi32>
    %gather3A = tpu.vector_load_idx %arg5[%broadcast_in_dim3A_38] : memref<304xi32, #tpu.memory_space<vmem>>[vector<16xi32>], vector<16xi32>,
    %broadcast_in_dim3A_39 = arith.constant 17 : i32
    %broadcast_in_dim3A_40 = vector.broadcast %broadcast_in_dim3A_39 : i32 to vector<16xi32>
    %gather3A_41 = tpu.vector_load_idx %arg5[%broadcast_in_dim3A_40] : memref<304xi32, #tpu.memory_space<vmem>>[vector<16xi32>], vector<16xi32>,
    %broadcast_in_dim3A_42 = arith.constant 18 : i32
    %broadcast_in_dim3A_43 = vector.broadcast %broadcast_in_dim3A_42 : i32 to vector<16xi32>
    %gather3A_44 = tpu.vector_load_idx %arg5[%broadcast_in_dim3A_43] : memref<304xi32, #tpu.memory_space<vmem>>[vector<16xi32>], vector<16xi32>,
    %broadcast_in_dim3A_45 = arith.constant 19 : i32
    %broadcast_in_dim3A_46 = vector.broadcast %broadcast_in_dim3A_45 : i32 to vector<16xi32>
    %gather3A_47 = tpu.vector_load_idx %arg5[%broadcast_in_dim3A_46] : memref<304xi32, #tpu.memory_space<vmem>>[vector<16xi32>], vector<16xi32>,
    %broadcast_in_dim3A_48 = arith.constant 20 : i32
    %broadcast_in_dim3A_49 = vector.broadcast %broadcast_in_dim3A_48 : i32 to vector<16xi32>
    %gather3A_50 = tpu.vector_load_idx %arg5[%broadcast_in_dim3A_49] : memref<304xi32, #tpu.memory_space<vmem>>[vector<16xi32>], vector<16xi32>,
    %broadcast_in_dim3A_51 = arith.constant 21 : i32
    %broadcast_in_dim3A_52 = vector.broadcast %broadcast_in_dim3A_51 : i32 to vector<16xi32>
    %gather3A_53 = tpu.vector_load_idx %arg5[%broadcast_in_dim3A_52] : memref<304xi32, #tpu.memory_space<vmem>>[vector<16xi32>], vector<16xi32>,
    %broadcast_in_dim3A_54 = arith.constant 22 : i32
    %broadcast_in_dim3A_55 = vector.broadcast %broadcast_in_dim3A_54 : i32 to vector<16xi32>
    %gather3A_56 = tpu.vector_load_idx %arg5[%broadcast_in_dim3A_55] : memref<304xi32, #tpu.memory_space<vmem>>[vector<16xi32>], vector<16xi32>,
    %broadcast_in_dim3A_57 = arith.constant 23 : i32
    %broadcast_in_dim3A_58 = vector.broadcast %broadcast_in_dim3A_57 : i32 to vector<16xi32>
    %gather3A_59 = tpu.vector_load_idx %arg5[%broadcast_in_dim3A_58] : memref<304xi32, #tpu.memory_space<vmem>>[vector<16xi32>], vector<16xi32>,
    %broadcast_in_dim3A_60 = arith.constant 32 : i32
    %broadcast_in_dim3A_61 = vector.broadcast %broadcast_in_dim3A_60 : i32 to vector<16xi32>
    %gather3A_62 = tpu.vector_load_idx %arg5[%broadcast_in_dim3A_61] : memref<304xi32, #tpu.memory_space<vmem>>[vector<16xi32>], vector<16xi32>,
    %broadcast_in_dim3A_63 = arith.constant 33 : i32
    %broadcast_in_dim3A_64 = vector.broadcast %broadcast_in_dim3A_63 : i32 to vector<16xi32>
    %gather3A_65 = tpu.vector_load_idx %arg5[%broadcast_in_dim3A_64] : memref<304xi32, #tpu.memory_space<vmem>>[vector<16xi32>], vector<16xi32>,
    %broadcast_in_dim3A_66 = arith.constant 34 : i32
    %broadcast_in_dim3A_67 = vector.broadcast %broadcast_in_dim3A_66 : i32 to vector<16xi32>
    %gather3A_68 = tpu.vector_load_idx %arg5[%broadcast_in_dim3A_67] : memref<304xi32, #tpu.memory_space<vmem>>[vector<16xi32>], vector<16xi32>,
    %broadcast_in_dim3A_69 = arith.constant 35 : i32
    %broadcast_in_dim3A_70 = vector.broadcast %broadcast_in_dim3A_69 : i32 to vector<16xi32>
    %gather3A_71 = tpu.vector_load_idx %arg5[%broadcast_in_dim3A_70] : memref<304xi32, #tpu.memory_space<vmem>>[vector<16xi32>], vector<16xi32>,
    %broadcast_in_dim3A_72 = arith.constant 36 : i32
    %broadcast_in_dim3A_73 = vector.broadcast %broadcast_in_dim3A_72 : i32 to vector<16xi32>
    %gather3A_74 = tpu.vector_load_idx %arg5[%broadcast_in_dim3A_73] : memref<304xi32, #tpu.memory_space<vmem>>[vector<16xi32>], vector<16xi32>,
    %broadcast_in_dim3A_75 = arith.constant 37 : i32
    %broadcast_in_dim3A_76 = vector.broadcast %broadcast_in_dim3A_75 : i32 to vector<16xi32>
    %gather3A_77 = tpu.vector_load_idx %arg5[%broadcast_in_dim3A_76] : memref<304xi32, #tpu.memory_space<vmem>>[vector<16xi32>], vector<16xi32>,
    %broadcast_in_dim3A_78 = arith.constant 38 : i32
    %broadcast_in_dim3A_79 = vector.broadcast %broadcast_in_dim3A_78 : i32 to vector<16xi32>
    %gather3A_80 = tpu.vector_load_idx %arg5[%broadcast_in_dim3A_79] : memref<304xi32, #tpu.memory_space<vmem>>[vector<16xi32>], vector<16xi32>,
    %broadcast_in_dim3A_81 = arith.constant 39 : i32
    %broadcast_in_dim3A_82 = vector.broadcast %broadcast_in_dim3A_81 : i32 to vector<16xi32>
    %gather3A_83 = tpu.vector_load_idx %arg5[%broadcast_in_dim3A_82] : memref<304xi32, #tpu.memory_space<vmem>>[vector<16xi32>], vector<16xi32>,
    %broadcast_in_dim3A_84 = arith.constant 48 : i32
    %broadcast_in_dim3A_85 = vector.broadcast %broadcast_in_dim3A_84 : i32 to vector<16xi32>
    %scan3A = arith.constant 0 : i32
    %scan3A_86 = arith.constant 16 : i32
    %scan3A_87 = arith.addi %scan3A, %scan3A_86 : i32
    %scan3A_88 = arith.constant 1 : i32
    scf.for %scan3A_137 = %scan3A to %scan3A_87 step %scan3A_88  : i32 {
      %mul3A_138 = arith.constant 8 : i32
      %mul3A_139 = arith.muli %scan3A_137, %mul3A_138 : i32
      %add3A_140 = arith.constant 0 : i32
      %add3A_141 = arith.addi %add3A_140, %mul3A_139 : i32
      %add3A_142 = arith.constant 0 : i32
      %add3A_143 = arith.addi %add3A_141, %add3A_142 : i32
      %mul3A_144 = arith.constant 16 : i32
      %mul3A_145 = arith.muli %add3A_143, %mul3A_144 : i32
      %add3A_146 = arith.addi %mul3A_2, %mul3A_145 : i32
      %dma_wait3A_147 = arith.constant 0 : i32
      %dma_wait3A_148 = tpu.memref_slice %arg2[%add3A_146, %dma_wait3A_147] : memref<65536x512xi32, #tpu.memory_space<hbm>> -> memref<16x512xi32, #tpu.memory_space<hbm>>
      %dma_wait3A_149 = arith.constant 0 : i32
      %dma_wait3A_150 = tpu.memref_slice %arg2[%add3A_146, %dma_wait3A_149] : memref<65536x512xi32, #tpu.memory_space<hbm>> -> memref<16x512xi32, #tpu.memory_space<hbm>>
      tpu.wait_dma2 semaphore(%arg14 : memref<!tpu.dma_semaphore, #tpu.memory_space<semaphore_mem>>) src(%dma_wait3A_150 : memref<16x512xi32, #tpu.memory_space<hbm>>) dst(%arg6 : memref<16x512xi32, #tpu.memory_space<vmem>>)
      %broadcast_in_dim3A_151 = arith.constant 0 : i32
      %broadcast_in_dim3A_152 = vector.broadcast %broadcast_in_dim3A_151 : i32 to vector<16xi32>
      %add3A_153 = arith.addi %broadcast_in_dim3A_152, %iota3A : vector<16xi32>
      %broadcast_in_dim3A_154 = arith.constant 0 : i32
      %broadcast_in_dim3A_155 = vector.broadcast %broadcast_in_dim3A_154 : i32 to vector<16xi32>
      %gather3A_156 = tpu.vector_load_idx %arg6[%add3A_153, %gather3A] : memref<16x512xi32, #tpu.memory_space<vmem>>[vector<16xi32>, vector<16xi32>], vector<16xi32>,
      %mul3A_157 = arith.muli %gather3A_156, %gather3A_62 : vector<16xi32>
      %add3A_158 = arith.addi %broadcast_in_dim3A_155, %mul3A_157 : vector<16xi32>
      %gather3A_159 = tpu.vector_load_idx %arg6[%add3A_153, %gather3A_41] : memref<16x512xi32, #tpu.memory_space<vmem>>[vector<16xi32>, vector<16xi32>], vector<16xi32>,
      %mul3A_160 = arith.muli %gather3A_159, %gather3A_65 : vector<16xi32>
      %add3A_161 = arith.addi %add3A_158, %mul3A_160 : vector<16xi32>
      %gather3A_162 = tpu.vector_load_idx %arg6[%add3A_153, %gather3A_44] : memref<16x512xi32, #tpu.memory_space<vmem>>[vector<16xi32>, vector<16xi32>], vector<16xi32>,
      %mul3A_163 = arith.muli %gather3A_162, %gather3A_68 : vector<16xi32>
      %add3A_164 = arith.addi %add3A_161, %mul3A_163 : vector<16xi32>
      %gather3A_165 = tpu.vector_load_idx %arg6[%add3A_153, %gather3A_47] : memref<16x512xi32, #tpu.memory_space<vmem>>[vector<16xi32>, vector<16xi32>], vector<16xi32>,
      %mul3A_166 = arith.muli %gather3A_165, %gather3A_71 : vector<16xi32>
      %add3A_167 = arith.addi %add3A_164, %mul3A_166 : vector<16xi32>
      %gather3A_168 = tpu.vector_load_idx %arg6[%add3A_153, %gather3A_50] : memref<16x512xi32, #tpu.memory_space<vmem>>[vector<16xi32>, vector<16xi32>], vector<16xi32>,
      %mul3A_169 = arith.muli %gather3A_168, %gather3A_74 : vector<16xi32>
      %add3A_170 = arith.addi %add3A_167, %mul3A_169 : vector<16xi32>
      %gather3A_171 = tpu.vector_load_idx %arg6[%add3A_153, %gather3A_53] : memref<16x512xi32, #tpu.memory_space<vmem>>[vector<16xi32>, vector<16xi32>], vector<16xi32>,
      %mul3A_172 = arith.muli %gather3A_171, %gather3A_77 : vector<16xi32>
      %add3A_173 = arith.addi %add3A_170, %mul3A_172 : vector<16xi32>
      %gather3A_174 = tpu.vector_load_idx %arg6[%add3A_153, %gather3A_56] : memref<16x512xi32, #tpu.memory_space<vmem>>[vector<16xi32>, vector<16xi32>], vector<16xi32>,
      %mul3A_175 = arith.muli %gather3A_174, %gather3A_80 : vector<16xi32>
      %add3A_176 = arith.addi %add3A_173, %mul3A_175 : vector<16xi32>
      %gather3A_177 = tpu.vector_load_idx %arg6[%add3A_153, %gather3A_59] : memref<16x512xi32, #tpu.memory_space<vmem>>[vector<16xi32>, vector<16xi32>], vector<16xi32>,
      %mul3A_178 = arith.muli %gather3A_177, %gather3A_83 : vector<16xi32>
      %add3A_179 = arith.addi %add3A_176, %mul3A_178 : vector<16xi32>
      %add3A_180 = arith.addi %broadcast_in_dim3A_85, %add3A_179 : vector<16xi32>
      %gather3A_181 = tpu.vector_load_idx %arg5[%add3A_180] : memref<304xi32, #tpu.memory_space<vmem>>[vector<16xi32>], vector<16xi32>,
      %and3A = arith.andi %gather3A_181, %gather3A_62 : vector<16xi32>
      %ne3A = arith.constant 0 : i32
      %ne3A_182 = vector.broadcast %ne3A : i32 to vector<16xi32>
      %ne3A_183 = arith.cmpi ne, %and3A, %ne3A_182 : vector<16xi32>
      %broadcast_in_dim3A_184 = arith.constant 1 : i32
      %broadcast_in_dim3A_185 = vector.broadcast %broadcast_in_dim3A_184 : i32 to vector<16xi32>
      %broadcast_in_dim3A_186 = arith.constant 0 : i32
      %broadcast_in_dim3A_187 = vector.broadcast %broadcast_in_dim3A_186 : i32 to vector<16xi32>
      %select_n3A = arith.select %ne3A_183, %broadcast_in_dim3A_185, %broadcast_in_dim3A_187 : vector<16xi1>, vector<16xi32>
      tpu.vector_store_idx %arg6[%add3A_153, %gather3A], %select_n3A : memref<16x512xi32, #tpu.memory_space<vmem>>[vector<16xi32>, vector<16xi32>], vector<16xi32>,
      %and3A_188 = arith.andi %gather3A_181, %gather3A_65 : vector<16xi32>
      %ne3A_189 = arith.constant 0 : i32
      %ne3A_190 = vector.broadcast %ne3A_189 : i32 to vector<16xi32>
      %ne3A_191 = arith.cmpi ne, %and3A_188, %ne3A_190 : vector<16xi32>
      %broadcast_in_dim3A_192 = arith.constant 1 : i32
      %broadcast_in_dim3A_193 = vector.broadcast %broadcast_in_dim3A_192 : i32 to vector<16xi32>
      %broadcast_in_dim3A_194 = arith.constant 0 : i32
      %broadcast_in_dim3A_195 = vector.broadcast %broadcast_in_dim3A_194 : i32 to vector<16xi32>
      %select_n3A_196 = arith.select %ne3A_191, %broadcast_in_dim3A_193, %broadcast_in_dim3A_195 : vector<16xi1>, vector<16xi32>
      tpu.vector_store_idx %arg6[%add3A_153, %gather3A_41], %select_n3A_196 : memref<16x512xi32, #tpu.memory_space<vmem>>[vector<16xi32>, vector<16xi32>], vector<16xi32>,
      %and3A_197 = arith.andi %gather3A_181, %gather3A_68 : vector<16xi32>
      %ne3A_198 = arith.constant 0 : i32
      %ne3A_199 = vector.broadcast %ne3A_198 : i32 to vector<16xi32>
      %ne3A_200 = arith.cmpi ne, %and3A_197, %ne3A_199 : vector<16xi32>
      %broadcast_in_dim3A_201 = arith.constant 1 : i32
      %broadcast_in_dim3A_202 = vector.broadcast %broadcast_in_dim3A_201 : i32 to vector<16xi32>
      %broadcast_in_dim3A_203 = arith.constant 0 : i32
      %broadcast_in_dim3A_204 = vector.broadcast %broadcast_in_dim3A_203 : i32 to vector<16xi32>
      %select_n3A_205 = arith.select %ne3A_200, %broadcast_in_dim3A_202, %broadcast_in_dim3A_204 : vector<16xi1>, vector<16xi32>
      tpu.vector_store_idx %arg6[%add3A_153, %gather3A_44], %select_n3A_205 : memref<16x512xi32, #tpu.memory_space<vmem>>[vector<16xi32>, vector<16xi32>], vector<16xi32>,
      %and3A_206 = arith.andi %gather3A_181, %gather3A_71 : vector<16xi32>
      %ne3A_207 = arith.constant 0 : i32
      %ne3A_208 = vector.broadcast %ne3A_207 : i32 to vector<16xi32>
      %ne3A_209 = arith.cmpi ne, %and3A_206, %ne3A_208 : vector<16xi32>
      %broadcast_in_dim3A_210 = arith.constant 1 : i32
      %broadcast_in_dim3A_211 = vector.broadcast %broadcast_in_dim3A_210 : i32 to vector<16xi32>
      %broadcast_in_dim3A_212 = arith.constant 0 : i32
      %broadcast_in_dim3A_213 = vector.broadcast %broadcast_in_dim3A_212 : i32 to vector<16xi32>
      %select_n3A_214 = arith.select %ne3A_209, %broadcast_in_dim3A_211, %broadcast_in_dim3A_213 : vector<16xi1>, vector<16xi32>
      tpu.vector_store_idx %arg6[%add3A_153, %gather3A_47], %select_n3A_214 : memref<16x512xi32, #tpu.memory_space<vmem>>[vector<16xi32>, vector<16xi32>], vector<16xi32>,
      %and3A_215 = arith.andi %gather3A_181, %gather3A_74 : vector<16xi32>
      %ne3A_216 = arith.constant 0 : i32
      %ne3A_217 = vector.broadcast %ne3A_216 : i32 to vector<16xi32>
      %ne3A_218 = arith.cmpi ne, %and3A_215, %ne3A_217 : vector<16xi32>
      %broadcast_in_dim3A_219 = arith.constant 1 : i32
      %broadcast_in_dim3A_220 = vector.broadcast %broadcast_in_dim3A_219 : i32 to vector<16xi32>
      %broadcast_in_dim3A_221 = arith.constant 0 : i32
      %broadcast_in_dim3A_222 = vector.broadcast %broadcast_in_dim3A_221 : i32 to vector<16xi32>
      %select_n3A_223 = arith.select %ne3A_218, %broadcast_in_dim3A_220, %broadcast_in_dim3A_222 : vector<16xi1>, vector<16xi32>
      tpu.vector_store_idx %arg6[%add3A_153, %gather3A_50], %select_n3A_223 : memref<16x512xi32, #tpu.memory_space<vmem>>[vector<16xi32>, vector<16xi32>], vector<16xi32>,
      %and3A_224 = arith.andi %gather3A_181, %gather3A_77 : vector<16xi32>
      %ne3A_225 = arith.constant 0 : i32
      %ne3A_226 = vector.broadcast %ne3A_225 : i32 to vector<16xi32>
      %ne3A_227 = arith.cmpi ne, %and3A_224, %ne3A_226 : vector<16xi32>
      %broadcast_in_dim3A_228 = arith.constant 1 : i32
      %broadcast_in_dim3A_229 = vector.broadcast %broadcast_in_dim3A_228 : i32 to vector<16xi32>
      %broadcast_in_dim3A_230 = arith.constant 0 : i32
      %broadcast_in_dim3A_231 = vector.broadcast %broadcast_in_dim3A_230 : i32 to vector<16xi32>
      %select_n3A_232 = arith.select %ne3A_227, %broadcast_in_dim3A_229, %broadcast_in_dim3A_231 : vector<16xi1>, vector<16xi32>
      tpu.vector_store_idx %arg6[%add3A_153, %gather3A_53], %select_n3A_232 : memref<16x512xi32, #tpu.memory_space<vmem>>[vector<16xi32>, vector<16xi32>], vector<16xi32>,
      %and3A_233 = arith.andi %gather3A_181, %gather3A_80 : vector<16xi32>
      %ne3A_234 = arith.constant 0 : i32
      %ne3A_235 = vector.broadcast %ne3A_234 : i32 to vector<16xi32>
      %ne3A_236 = arith.cmpi ne, %and3A_233, %ne3A_235 : vector<16xi32>
      %broadcast_in_dim3A_237 = arith.constant 1 : i32
      %broadcast_in_dim3A_238 = vector.broadcast %broadcast_in_dim3A_237 : i32 to vector<16xi32>
      %broadcast_in_dim3A_239 = arith.constant 0 : i32
      %broadcast_in_dim3A_240 = vector.broadcast %broadcast_in_dim3A_239 : i32 to vector<16xi32>
      %select_n3A_241 = arith.select %ne3A_236, %broadcast_in_dim3A_238, %broadcast_in_dim3A_240 : vector<16xi1>, vector<16xi32>
      tpu.vector_store_idx %arg6[%add3A_153, %gather3A_56], %select_n3A_241 : memref<16x512xi32, #tpu.memory_space<vmem>>[vector<16xi32>, vector<16xi32>], vector<16xi32>,
      %and3A_242 = arith.andi %gather3A_181, %gather3A_83 : vector<16xi32>
      %ne3A_243 = arith.constant 0 : i32
      %ne3A_244 = vector.broadcast %ne3A_243 : i32 to vector<16xi32>
      %ne3A_245 = arith.cmpi ne, %and3A_242, %ne3A_244 : vector<16xi32>
      %broadcast_in_dim3A_246 = arith.constant 1 : i32
      %broadcast_in_dim3A_247 = vector.broadcast %broadcast_in_dim3A_246 : i32 to vector<16xi32>
      %broadcast_in_dim3A_248 = arith.constant 0 : i32
      %broadcast_in_dim3A_249 = vector.broadcast %broadcast_in_dim3A_248 : i32 to vector<16xi32>
      %select_n3A_250 = arith.select %ne3A_245, %broadcast_in_dim3A_247, %broadcast_in_dim3A_249 : vector<16xi1>, vector<16xi32>
      tpu.vector_store_idx %arg6[%add3A_153, %gather3A_59], %select_n3A_250 : memref<16x512xi32, #tpu.memory_space<vmem>>[vector<16xi32>, vector<16xi32>], vector<16xi32>,
      %mul3A_251 = arith.constant 16 : i32
      %mul3A_252 = arith.muli %add3A_143, %mul3A_251 : i32
      %add3A_253 = arith.addi %mul3A_2, %mul3A_252 : i32
      %dma_start3A_254 = arith.constant 0 : i32
      %dma_start3A_255 = tpu.memref_slice %arg4[%add3A_253, %dma_start3A_254] : memref<65536x512xi32, #tpu.memory_space<hbm>> -> memref<16x512xi32, #tpu.memory_space<hbm>>
      %dma_start3A_256 = arith.constant 0 : i32
      %dma_start3A_257 = tpu.memref_slice %arg4[%add3A_253, %dma_start3A_256] : memref<65536x512xi32, #tpu.memory_space<hbm>> -> memref<16x512xi32, #tpu.memory_space<hbm>>
      tpu.enqueue_dma source(%arg6 : memref<16x512xi32, #tpu.memory_space<vmem>>) target(%dma_start3A_257 : memref<16x512xi32, #tpu.memory_space<hbm>>) target_semaphore(%arg22 : memref<!tpu.dma_semaphore, #tpu.memory_space<semaphore_mem>>)
      %add3A_258 = arith.constant 6 : i32
      %add3A_259 = arith.addi %add3A_143, %add3A_258 : i32
      %lt3A = arith.constant 128 : i32
      %lt3A_260 = arith.cmpi slt, %add3A_259, %lt3A : i32
      %convert_element_type3A = arith.extui %lt3A_260 : i1 to i32
      %cond3A = arith.constant 0 : i32
      %cond3A_261 = arith.cmpi ne, %convert_element_type3A, %cond3A : i32
      scf.if %cond3A_261 {
        %ge3A = arith.constant 2 : i32
        %ge3A_1144 = arith.cmpi sge, %add3A_143, %ge3A : i32
        %convert_element_type3A_1145 = arith.extui %ge3A_1144 : i1 to i32
        %cond3A_1146 = arith.constant 0 : i32
        %cond3A_1147 = arith.cmpi ne, %convert_element_type3A_1145, %cond3A_1146 : i32
        scf.if %cond3A_1147 {
          %sub3A = arith.constant 2 : i32
          %sub3A_1157 = arith.subi %add3A_143, %sub3A : i32
          %mul3A_1158 = arith.constant 16 : i32
          %mul3A_1159 = arith.muli %sub3A_1157, %mul3A_1158 : i32
          %add3A_1160 = arith.addi %mul3A_2, %mul3A_1159 : i32
          %dma_wait3A_1161 = arith.constant 0 : i32
          %dma_wait3A_1162 = tpu.memref_slice %arg4[%add3A_1160, %dma_wait3A_1161] : memref<65536x512xi32, #tpu.memory_space<hbm>> -> memref<16x512xi32, #tpu.memory_space<hbm>>
          %dma_wait3A_1163 = arith.constant 0 : i32
          %dma_wait3A_1164 = tpu.memref_slice %arg4[%add3A_1160, %dma_wait3A_1163] : memref<65536x512xi32, #tpu.memory_space<hbm>> -> memref<16x512xi32, #tpu.memory_space<hbm>>
          tpu.wait_dma2 semaphore(%arg28 : memref<!tpu.dma_semaphore, #tpu.memory_space<semaphore_mem>>) src(%arg12 : memref<16x512xi32, #tpu.memory_space<vmem>>) dst(%dma_wait3A_1164 : memref<16x512xi32, #tpu.memory_space<hbm>>)
        } else {
        }
        %add3A_1148 = arith.constant 6 : i32
        %add3A_1149 = arith.addi %add3A_143, %add3A_1148 : i32
        %mul3A_1150 = arith.constant 16 : i32
        %mul3A_1151 = arith.muli %add3A_1149, %mul3A_1150 : i32
        %add3A_1152 = arith.addi %mul3A_2, %mul3A_1151 : i32
        %dma_start3A_1153 = arith.constant 0 : i32
        %dma_start3A_1154 = tpu.memref_slice %arg2[%add3A_1152, %dma_start3A_1153] : memref<65536x512xi32, #tpu.memory_space<hbm>> -> memref<16x512xi32, #tpu.memory_space<hbm>>
        %dma_start3A_1155 = arith.constant 0 : i32
        %dma_start3A_1156 = tpu.memref_slice %arg2[%add3A_1152, %dma_start3A_1155] : memref<65536x512xi32, #tpu.memory_space<hbm>> -> memref<16x512xi32, #tpu.memory_space<hbm>>
        tpu.enqueue_dma source(%dma_start3A_1156 : memref<16x512xi32, #tpu.memory_space<hbm>>) target(%arg12 : memref<16x512xi32, #tpu.memory_space<vmem>>) target_semaphore(%arg20 : memref<!tpu.dma_semaphore, #tpu.memory_space<semaphore_mem>>)
      } else {
      }
      %add3A_262 = arith.constant 1 : i32
      %add3A_263 = arith.addi %add3A_141, %add3A_262 : i32
      %mul3A_264 = arith.constant 16 : i32
      %mul3A_265 = arith.muli %add3A_263, %mul3A_264 : i32
      %add3A_266 = arith.addi %mul3A_2, %mul3A_265 : i32
      %dma_wait3A_267 = arith.constant 0 : i32
      %dma_wait3A_268 = tpu.memref_slice %arg2[%add3A_266, %dma_wait3A_267] : memref<65536x512xi32, #tpu.memory_space<hbm>> -> memref<16x512xi32, #tpu.memory_space<hbm>>
      %dma_wait3A_269 = arith.constant 0 : i32
      %dma_wait3A_270 = tpu.memref_slice %arg2[%add3A_266, %dma_wait3A_269] : memref<65536x512xi32, #tpu.memory_space<hbm>> -> memref<16x512xi32, #tpu.memory_space<hbm>>
      tpu.wait_dma2 semaphore(%arg15 : memref<!tpu.dma_semaphore, #tpu.memory_space<semaphore_mem>>) src(%dma_wait3A_270 : memref<16x512xi32, #tpu.memory_space<hbm>>) dst(%arg7 : memref<16x512xi32, #tpu.memory_space<vmem>>)
      %broadcast_in_dim3A_271 = arith.constant 0 : i32
      %broadcast_in_dim3A_272 = vector.broadcast %broadcast_in_dim3A_271 : i32 to vector<16xi32>
      %add3A_273 = arith.addi %broadcast_in_dim3A_272, %iota3A : vector<16xi32>
      %broadcast_in_dim3A_274 = arith.constant 0 : i32
      %broadcast_in_dim3A_275 = vector.broadcast %broadcast_in_dim3A_274 : i32 to vector<16xi32>
      %gather3A_276 = tpu.vector_load_idx %arg7[%add3A_273, %gather3A] : memref<16x512xi32, #tpu.memory_space<vmem>>[vector<16xi32>, vector<16xi32>], vector<16xi32>,
      %mul3A_277 = arith.muli %gather3A_276, %gather3A_62 : vector<16xi32>
      %add3A_278 = arith.addi %broadcast_in_dim3A_275, %mul3A_277 : vector<16xi32>
      %gather3A_279 = tpu.vector_load_idx %arg7[%add3A_273, %gather3A_41] : memref<16x512xi32, #tpu.memory_space<vmem>>[vector<16xi32>, vector<16xi32>], vector<16xi32>,
      %mul3A_280 = arith.muli %gather3A_279, %gather3A_65 : vector<16xi32>
      %add3A_281 = arith.addi %add3A_278, %mul3A_280 : vector<16xi32>
      %gather3A_282 = tpu.vector_load_idx %arg7[%add3A_273, %gather3A_44] : memref<16x512xi32, #tpu.memory_space<vmem>>[vector<16xi32>, vector<16xi32>], vector<16xi32>,
      %mul3A_283 = arith.muli %gather3A_282, %gather3A_68 : vector<16xi32>
      %add3A_284 = arith.addi %add3A_281, %mul3A_283 : vector<16xi32>
      %gather3A_285 = tpu.vector_load_idx %arg7[%add3A_273, %gather3A_47] : memref<16x512xi32, #tpu.memory_space<vmem>>[vector<16xi32>, vector<16xi32>], vector<16xi32>,
      %mul3A_286 = arith.muli %gather3A_285, %gather3A_71 : vector<16xi32>
      %add3A_287 = arith.addi %add3A_284, %mul3A_286 : vector<16xi32>
      %gather3A_288 = tpu.vector_load_idx %arg7[%add3A_273, %gather3A_50] : memref<16x512xi32, #tpu.memory_space<vmem>>[vector<16xi32>, vector<16xi32>], vector<16xi32>,
      %mul3A_289 = arith.muli %gather3A_288, %gather3A_74 : vector<16xi32>
      %add3A_290 = arith.addi %add3A_287, %mul3A_289 : vector<16xi32>
      %gather3A_291 = tpu.vector_load_idx %arg7[%add3A_273, %gather3A_53] : memref<16x512xi32, #tpu.memory_space<vmem>>[vector<16xi32>, vector<16xi32>], vector<16xi32>,
      %mul3A_292 = arith.muli %gather3A_291, %gather3A_77 : vector<16xi32>
      %add3A_293 = arith.addi %add3A_290, %mul3A_292 : vector<16xi32>
      %gather3A_294 = tpu.vector_load_idx %arg7[%add3A_273, %gather3A_56] : memref<16x512xi32, #tpu.memory_space<vmem>>[vector<16xi32>, vector<16xi32>], vector<16xi32>,
      %mul3A_295 = arith.muli %gather3A_294, %gather3A_80 : vector<16xi32>
      %add3A_296 = arith.addi %add3A_293, %mul3A_295 : vector<16xi32>
      %gather3A_297 = tpu.vector_load_idx %arg7[%add3A_273, %gather3A_59] : memref<16x512xi32, #tpu.memory_space<vmem>>[vector<16xi32>, vector<16xi32>], vector<16xi32>,
      %mul3A_298 = arith.muli %gather3A_297, %gather3A_83 : vector<16xi32>
      %add3A_299 = arith.addi %add3A_296, %mul3A_298 : vector<16xi32>
      %add3A_300 = arith.addi %broadcast_in_dim3A_85, %add3A_299 : vector<16xi32>
      %gather3A_301 = tpu.vector_load_idx %arg5[%add3A_300] : memref<304xi32, #tpu.memory_space<vmem>>[vector<16xi32>], vector<16xi32>,
      %and3A_302 = arith.andi %gather3A_301, %gather3A_62 : vector<16xi32>
      %ne3A_303 = arith.constant 0 : i32
      %ne3A_304 = vector.broadcast %ne3A_303 : i32 to vector<16xi32>
      %ne3A_305 = arith.cmpi ne, %and3A_302, %ne3A_304 : vector<16xi32>
      %broadcast_in_dim3A_306 = arith.constant 1 : i32
      %broadcast_in_dim3A_307 = vector.broadcast %broadcast_in_dim3A_306 : i32 to vector<16xi32>
      %broadcast_in_dim3A_308 = arith.constant 0 : i32
      %broadcast_in_dim3A_309 = vector.broadcast %broadcast_in_dim3A_308 : i32 to vector<16xi32>
      %select_n3A_310 = arith.select %ne3A_305, %broadcast_in_dim3A_307, %broadcast_in_dim3A_309 : vector<16xi1>, vector<16xi32>
      tpu.vector_store_idx %arg7[%add3A_273, %gather3A], %select_n3A_310 : memref<16x512xi32, #tpu.memory_space<vmem>>[vector<16xi32>, vector<16xi32>], vector<16xi32>,
      %and3A_311 = arith.andi %gather3A_301, %gather3A_65 : vector<16xi32>
      %ne3A_312 = arith.constant 0 : i32
      %ne3A_313 = vector.broadcast %ne3A_312 : i32 to vector<16xi32>
      %ne3A_314 = arith.cmpi ne, %and3A_311, %ne3A_313 : vector<16xi32>
      %broadcast_in_dim3A_315 = arith.constant 1 : i32
      %broadcast_in_dim3A_316 = vector.broadcast %broadcast_in_dim3A_315 : i32 to vector<16xi32>
      %broadcast_in_dim3A_317 = arith.constant 0 : i32
      %broadcast_in_dim3A_318 = vector.broadcast %broadcast_in_dim3A_317 : i32 to vector<16xi32>
      %select_n3A_319 = arith.select %ne3A_314, %broadcast_in_dim3A_316, %broadcast_in_dim3A_318 : vector<16xi1>, vector<16xi32>
      tpu.vector_store_idx %arg7[%add3A_273, %gather3A_41], %select_n3A_319 : memref<16x512xi32, #tpu.memory_space<vmem>>[vector<16xi32>, vector<16xi32>], vector<16xi32>,
      %and3A_320 = arith.andi %gather3A_301, %gather3A_68 : vector<16xi32>
      %ne3A_321 = arith.constant 0 : i32
      %ne3A_322 = vector.broadcast %ne3A_321 : i32 to vector<16xi32>
      %ne3A_323 = arith.cmpi ne, %and3A_320, %ne3A_322 : vector<16xi32>
      %broadcast_in_dim3A_324 = arith.constant 1 : i32
      %broadcast_in_dim3A_325 = vector.broadcast %broadcast_in_dim3A_324 : i32 to vector<16xi32>
      %broadcast_in_dim3A_326 = arith.constant 0 : i32
      %broadcast_in_dim3A_327 = vector.broadcast %broadcast_in_dim3A_326 : i32 to vector<16xi32>
      %select_n3A_328 = arith.select %ne3A_323, %broadcast_in_dim3A_325, %broadcast_in_dim3A_327 : vector<16xi1>, vector<16xi32>
      tpu.vector_store_idx %arg7[%add3A_273, %gather3A_44], %select_n3A_328 : memref<16x512xi32, #tpu.memory_space<vmem>>[vector<16xi32>, vector<16xi32>], vector<16xi32>,
      %and3A_329 = arith.andi %gather3A_301, %gather3A_71 : vector<16xi32>
      %ne3A_330 = arith.constant 0 : i32
      %ne3A_331 = vector.broadcast %ne3A_330 : i32 to vector<16xi32>
      %ne3A_332 = arith.cmpi ne, %and3A_329, %ne3A_331 : vector<16xi32>
      %broadcast_in_dim3A_333 = arith.constant 1 : i32
      %broadcast_in_dim3A_334 = vector.broadcast %broadcast_in_dim3A_333 : i32 to vector<16xi32>
      %broadcast_in_dim3A_335 = arith.constant 0 : i32
      %broadcast_in_dim3A_336 = vector.broadcast %broadcast_in_dim3A_335 : i32 to vector<16xi32>
      %select_n3A_337 = arith.select %ne3A_332, %broadcast_in_dim3A_334, %broadcast_in_dim3A_336 : vector<16xi1>, vector<16xi32>
      tpu.vector_store_idx %arg7[%add3A_273, %gather3A_47], %select_n3A_337 : memref<16x512xi32, #tpu.memory_space<vmem>>[vector<16xi32>, vector<16xi32>], vector<16xi32>,
      %and3A_338 = arith.andi %gather3A_301, %gather3A_74 : vector<16xi32>
      %ne3A_339 = arith.constant 0 : i32
      %ne3A_340 = vector.broadcast %ne3A_339 : i32 to vector<16xi32>
      %ne3A_341 = arith.cmpi ne, %and3A_338, %ne3A_340 : vector<16xi32>
      %broadcast_in_dim3A_342 = arith.constant 1 : i32
      %broadcast_in_dim3A_343 = vector.broadcast %broadcast_in_dim3A_342 : i32 to vector<16xi32>
      %broadcast_in_dim3A_344 = arith.constant 0 : i32
      %broadcast_in_dim3A_345 = vector.broadcast %broadcast_in_dim3A_344 : i32 to vector<16xi32>
      %select_n3A_346 = arith.select %ne3A_341, %broadcast_in_dim3A_343, %broadcast_in_dim3A_345 : vector<16xi1>, vector<16xi32>
      tpu.vector_store_idx %arg7[%add3A_273, %gather3A_50], %select_n3A_346 : memref<16x512xi32, #tpu.memory_space<vmem>>[vector<16xi32>, vector<16xi32>], vector<16xi32>,
      %and3A_347 = arith.andi %gather3A_301, %gather3A_77 : vector<16xi32>
      %ne3A_348 = arith.constant 0 : i32
      %ne3A_349 = vector.broadcast %ne3A_348 : i32 to vector<16xi32>
      %ne3A_350 = arith.cmpi ne, %and3A_347, %ne3A_349 : vector<16xi32>
      %broadcast_in_dim3A_351 = arith.constant 1 : i32
      %broadcast_in_dim3A_352 = vector.broadcast %broadcast_in_dim3A_351 : i32 to vector<16xi32>
      %broadcast_in_dim3A_353 = arith.constant 0 : i32
      %broadcast_in_dim3A_354 = vector.broadcast %broadcast_in_dim3A_353 : i32 to vector<16xi32>
      %select_n3A_355 = arith.select %ne3A_350, %broadcast_in_dim3A_352, %broadcast_in_dim3A_354 : vector<16xi1>, vector<16xi32>
      tpu.vector_store_idx %arg7[%add3A_273, %gather3A_53], %select_n3A_355 : memref<16x512xi32, #tpu.memory_space<vmem>>[vector<16xi32>, vector<16xi32>], vector<16xi32>,
      %and3A_356 = arith.andi %gather3A_301, %gather3A_80 : vector<16xi32>
      %ne3A_357 = arith.constant 0 : i32
      %ne3A_358 = vector.broadcast %ne3A_357 : i32 to vector<16xi32>
      %ne3A_359 = arith.cmpi ne, %and3A_356, %ne3A_358 : vector<16xi32>
      %broadcast_in_dim3A_360 = arith.constant 1 : i32
      %broadcast_in_dim3A_361 = vector.broadcast %broadcast_in_dim3A_360 : i32 to vector<16xi32>
      %broadcast_in_dim3A_362 = arith.constant 0 : i32
      %broadcast_in_dim3A_363 = vector.broadcast %broadcast_in_dim3A_362 : i32 to vector<16xi32>
      %select_n3A_364 = arith.select %ne3A_359, %broadcast_in_dim3A_361, %broadcast_in_dim3A_363 : vector<16xi1>, vector<16xi32>
      tpu.vector_store_idx %arg7[%add3A_273, %gather3A_56], %select_n3A_364 : memref<16x512xi32, #tpu.memory_space<vmem>>[vector<16xi32>, vector<16xi32>], vector<16xi32>,
      %and3A_365 = arith.andi %gather3A_301, %gather3A_83 : vector<16xi32>
      %ne3A_366 = arith.constant 0 : i32
      %ne3A_367 = vector.broadcast %ne3A_366 : i32 to vector<16xi32>
      %ne3A_368 = arith.cmpi ne, %and3A_365, %ne3A_367 : vector<16xi32>
      %broadcast_in_dim3A_369 = arith.constant 1 : i32
      %broadcast_in_dim3A_370 = vector.broadcast %broadcast_in_dim3A_369 : i32 to vector<16xi32>
      %broadcast_in_dim3A_371 = arith.constant 0 : i32
      %broadcast_in_dim3A_372 = vector.broadcast %broadcast_in_dim3A_371 : i32 to vector<16xi32>
      %select_n3A_373 = arith.select %ne3A_368, %broadcast_in_dim3A_370, %broadcast_in_dim3A_372 : vector<16xi1>, vector<16xi32>
      tpu.vector_store_idx %arg7[%add3A_273, %gather3A_59], %select_n3A_373 : memref<16x512xi32, #tpu.memory_space<vmem>>[vector<16xi32>, vector<16xi32>], vector<16xi32>,
      %mul3A_374 = arith.constant 16 : i32
      %mul3A_375 = arith.muli %add3A_263, %mul3A_374 : i32
      %add3A_376 = arith.addi %mul3A_2, %mul3A_375 : i32
      %dma_start3A_377 = arith.constant 0 : i32
      %dma_start3A_378 = tpu.memref_slice %arg4[%add3A_376, %dma_start3A_377] : memref<65536x512xi32, #tpu.memory_space<hbm>> -> memref<16x512xi32, #tpu.memory_space<hbm>>
      %dma_start3A_379 = arith.constant 0 : i32
      %dma_start3A_380 = tpu.memref_slice %arg4[%add3A_376, %dma_start3A_379] : memref<65536x512xi32, #tpu.memory_space<hbm>> -> memref<16x512xi32, #tpu.memory_space<hbm>>
      tpu.enqueue_dma source(%arg7 : memref<16x512xi32, #tpu.memory_space<vmem>>) target(%dma_start3A_380 : memref<16x512xi32, #tpu.memory_space<hbm>>) target_semaphore(%arg23 : memref<!tpu.dma_semaphore, #tpu.memory_space<semaphore_mem>>)
      %add3A_381 = arith.constant 6 : i32
      %add3A_382 = arith.addi %add3A_263, %add3A_381 : i32
      %lt3A_383 = arith.constant 128 : i32
      %lt3A_384 = arith.cmpi slt, %add3A_382, %lt3A_383 : i32
      %convert_element_type3A_385 = arith.extui %lt3A_384 : i1 to i32
      %cond3A_386 = arith.constant 0 : i32
      %cond3A_387 = arith.cmpi ne, %convert_element_type3A_385, %cond3A_386 : i32
      scf.if %cond3A_387 {
        %ge3A = arith.constant 2 : i32
        %ge3A_1144 = arith.cmpi sge, %add3A_263, %ge3A : i32
        %convert_element_type3A_1145 = arith.extui %ge3A_1144 : i1 to i32
        %cond3A_1146 = arith.constant 0 : i32
        %cond3A_1147 = arith.cmpi ne, %convert_element_type3A_1145, %cond3A_1146 : i32
        scf.if %cond3A_1147 {
          %sub3A = arith.constant 2 : i32
          %sub3A_1157 = arith.subi %add3A_263, %sub3A : i32
          %mul3A_1158 = arith.constant 16 : i32
          %mul3A_1159 = arith.muli %sub3A_1157, %mul3A_1158 : i32
          %add3A_1160 = arith.addi %mul3A_2, %mul3A_1159 : i32
          %dma_wait3A_1161 = arith.constant 0 : i32
          %dma_wait3A_1162 = tpu.memref_slice %arg4[%add3A_1160, %dma_wait3A_1161] : memref<65536x512xi32, #tpu.memory_space<hbm>> -> memref<16x512xi32, #tpu.memory_space<hbm>>
          %dma_wait3A_1163 = arith.constant 0 : i32
          %dma_wait3A_1164 = tpu.memref_slice %arg4[%add3A_1160, %dma_wait3A_1163] : memref<65536x512xi32, #tpu.memory_space<hbm>> -> memref<16x512xi32, #tpu.memory_space<hbm>>
          tpu.wait_dma2 semaphore(%arg29 : memref<!tpu.dma_semaphore, #tpu.memory_space<semaphore_mem>>) src(%arg13 : memref<16x512xi32, #tpu.memory_space<vmem>>) dst(%dma_wait3A_1164 : memref<16x512xi32, #tpu.memory_space<hbm>>)
        } else {
        }
        %add3A_1148 = arith.constant 6 : i32
        %add3A_1149 = arith.addi %add3A_263, %add3A_1148 : i32
        %mul3A_1150 = arith.constant 16 : i32
        %mul3A_1151 = arith.muli %add3A_1149, %mul3A_1150 : i32
        %add3A_1152 = arith.addi %mul3A_2, %mul3A_1151 : i32
        %dma_start3A_1153 = arith.constant 0 : i32
        %dma_start3A_1154 = tpu.memref_slice %arg2[%add3A_1152, %dma_start3A_1153] : memref<65536x512xi32, #tpu.memory_space<hbm>> -> memref<16x512xi32, #tpu.memory_space<hbm>>
        %dma_start3A_1155 = arith.constant 0 : i32
        %dma_start3A_1156 = tpu.memref_slice %arg2[%add3A_1152, %dma_start3A_1155] : memref<65536x512xi32, #tpu.memory_space<hbm>> -> memref<16x512xi32, #tpu.memory_space<hbm>>
        tpu.enqueue_dma source(%dma_start3A_1156 : memref<16x512xi32, #tpu.memory_space<hbm>>) target(%arg13 : memref<16x512xi32, #tpu.memory_space<vmem>>) target_semaphore(%arg21 : memref<!tpu.dma_semaphore, #tpu.memory_space<semaphore_mem>>)
      } else {
      }
      %add3A_388 = arith.constant 2 : i32
      %add3A_389 = arith.addi %add3A_141, %add3A_388 : i32
      %mul3A_390 = arith.constant 16 : i32
      %mul3A_391 = arith.muli %add3A_389, %mul3A_390 : i32
      %add3A_392 = arith.addi %mul3A_2, %mul3A_391 : i32
      %dma_wait3A_393 = arith.constant 0 : i32
      %dma_wait3A_394 = tpu.memref_slice %arg2[%add3A_392, %dma_wait3A_393] : memref<65536x512xi32, #tpu.memory_space<hbm>> -> memref<16x512xi32, #tpu.memory_space<hbm>>
      %dma_wait3A_395 = arith.constant 0 : i32
      %dma_wait3A_396 = tpu.memref_slice %arg2[%add3A_392, %dma_wait3A_395] : memref<65536x512xi32, #tpu.memory_space<hbm>> -> memref<16x512xi32, #tpu.memory_space<hbm>>
      tpu.wait_dma2 semaphore(%arg16 : memref<!tpu.dma_semaphore, #tpu.memory_space<semaphore_mem>>) src(%dma_wait3A_396 : memref<16x512xi32, #tpu.memory_space<hbm>>) dst(%arg8 : memref<16x512xi32, #tpu.memory_space<vmem>>)
      %broadcast_in_dim3A_397 = arith.constant 0 : i32
      %broadcast_in_dim3A_398 = vector.broadcast %broadcast_in_dim3A_397 : i32 to vector<16xi32>
      %add3A_399 = arith.addi %broadcast_in_dim3A_398, %iota3A : vector<16xi32>
      %broadcast_in_dim3A_400 = arith.constant 0 : i32
      %broadcast_in_dim3A_401 = vector.broadcast %broadcast_in_dim3A_400 : i32 to vector<16xi32>
      %gather3A_402 = tpu.vector_load_idx %arg8[%add3A_399, %gather3A] : memref<16x512xi32, #tpu.memory_space<vmem>>[vector<16xi32>, vector<16xi32>], vector<16xi32>,
      %mul3A_403 = arith.muli %gather3A_402, %gather3A_62 : vector<16xi32>
      %add3A_404 = arith.addi %broadcast_in_dim3A_401, %mul3A_403 : vector<16xi32>
      %gather3A_405 = tpu.vector_load_idx %arg8[%add3A_399, %gather3A_41] : memref<16x512xi32, #tpu.memory_space<vmem>>[vector<16xi32>, vector<16xi32>], vector<16xi32>,
      %mul3A_406 = arith.muli %gather3A_405, %gather3A_65 : vector<16xi32>
      %add3A_407 = arith.addi %add3A_404, %mul3A_406 : vector<16xi32>
      %gather3A_408 = tpu.vector_load_idx %arg8[%add3A_399, %gather3A_44] : memref<16x512xi32, #tpu.memory_space<vmem>>[vector<16xi32>, vector<16xi32>], vector<16xi32>,
      %mul3A_409 = arith.muli %gather3A_408, %gather3A_68 : vector<16xi32>
      %add3A_410 = arith.addi %add3A_407, %mul3A_409 : vector<16xi32>
      %gather3A_411 = tpu.vector_load_idx %arg8[%add3A_399, %gather3A_47] : memref<16x512xi32, #tpu.memory_space<vmem>>[vector<16xi32>, vector<16xi32>], vector<16xi32>,
      %mul3A_412 = arith.muli %gather3A_411, %gather3A_71 : vector<16xi32>
      %add3A_413 = arith.addi %add3A_410, %mul3A_412 : vector<16xi32>
      %gather3A_414 = tpu.vector_load_idx %arg8[%add3A_399, %gather3A_50] : memref<16x512xi32, #tpu.memory_space<vmem>>[vector<16xi32>, vector<16xi32>], vector<16xi32>,
      %mul3A_415 = arith.muli %gather3A_414, %gather3A_74 : vector<16xi32>
      %add3A_416 = arith.addi %add3A_413, %mul3A_415 : vector<16xi32>
      %gather3A_417 = tpu.vector_load_idx %arg8[%add3A_399, %gather3A_53] : memref<16x512xi32, #tpu.memory_space<vmem>>[vector<16xi32>, vector<16xi32>], vector<16xi32>,
      %mul3A_418 = arith.muli %gather3A_417, %gather3A_77 : vector<16xi32>
      %add3A_419 = arith.addi %add3A_416, %mul3A_418 : vector<16xi32>
      %gather3A_420 = tpu.vector_load_idx %arg8[%add3A_399, %gather3A_56] : memref<16x512xi32, #tpu.memory_space<vmem>>[vector<16xi32>, vector<16xi32>], vector<16xi32>,
      %mul3A_421 = arith.muli %gather3A_420, %gather3A_80 : vector<16xi32>
      %add3A_422 = arith.addi %add3A_419, %mul3A_421 : vector<16xi32>
      %gather3A_423 = tpu.vector_load_idx %arg8[%add3A_399, %gather3A_59] : memref<16x512xi32, #tpu.memory_space<vmem>>[vector<16xi32>, vector<16xi32>], vector<16xi32>,
      %mul3A_424 = arith.muli %gather3A_423, %gather3A_83 : vector<16xi32>
      %add3A_425 = arith.addi %add3A_422, %mul3A_424 : vector<16xi32>
      %add3A_426 = arith.addi %broadcast_in_dim3A_85, %add3A_425 : vector<16xi32>
      %gather3A_427 = tpu.vector_load_idx %arg5[%add3A_426] : memref<304xi32, #tpu.memory_space<vmem>>[vector<16xi32>], vector<16xi32>,
      %and3A_428 = arith.andi %gather3A_427, %gather3A_62 : vector<16xi32>
      %ne3A_429 = arith.constant 0 : i32
      %ne3A_430 = vector.broadcast %ne3A_429 : i32 to vector<16xi32>
      %ne3A_431 = arith.cmpi ne, %and3A_428, %ne3A_430 : vector<16xi32>
      %broadcast_in_dim3A_432 = arith.constant 1 : i32
      %broadcast_in_dim3A_433 = vector.broadcast %broadcast_in_dim3A_432 : i32 to vector<16xi32>
      %broadcast_in_dim3A_434 = arith.constant 0 : i32
      %broadcast_in_dim3A_435 = vector.broadcast %broadcast_in_dim3A_434 : i32 to vector<16xi32>
      %select_n3A_436 = arith.select %ne3A_431, %broadcast_in_dim3A_433, %broadcast_in_dim3A_435 : vector<16xi1>, vector<16xi32>
      tpu.vector_store_idx %arg8[%add3A_399, %gather3A], %select_n3A_436 : memref<16x512xi32, #tpu.memory_space<vmem>>[vector<16xi32>, vector<16xi32>], vector<16xi32>,
      %and3A_437 = arith.andi %gather3A_427, %gather3A_65 : vector<16xi32>
      %ne3A_438 = arith.constant 0 : i32
      %ne3A_439 = vector.broadcast %ne3A_438 : i32 to vector<16xi32>
      %ne3A_440 = arith.cmpi ne, %and3A_437, %ne3A_439 : vector<16xi32>
      %broadcast_in_dim3A_441 = arith.constant 1 : i32
      %broadcast_in_dim3A_442 = vector.broadcast %broadcast_in_dim3A_441 : i32 to vector<16xi32>
      %broadcast_in_dim3A_443 = arith.constant 0 : i32
      %broadcast_in_dim3A_444 = vector.broadcast %broadcast_in_dim3A_443 : i32 to vector<16xi32>
      %select_n3A_445 = arith.select %ne3A_440, %broadcast_in_dim3A_442, %broadcast_in_dim3A_444 : vector<16xi1>, vector<16xi32>
      tpu.vector_store_idx %arg8[%add3A_399, %gather3A_41], %select_n3A_445 : memref<16x512xi32, #tpu.memory_space<vmem>>[vector<16xi32>, vector<16xi32>], vector<16xi32>,
      %and3A_446 = arith.andi %gather3A_427, %gather3A_68 : vector<16xi32>
      %ne3A_447 = arith.constant 0 : i32
      %ne3A_448 = vector.broadcast %ne3A_447 : i32 to vector<16xi32>
      %ne3A_449 = arith.cmpi ne, %and3A_446, %ne3A_448 : vector<16xi32>
      %broadcast_in_dim3A_450 = arith.constant 1 : i32
      %broadcast_in_dim3A_451 = vector.broadcast %broadcast_in_dim3A_450 : i32 to vector<16xi32>
      %broadcast_in_dim3A_452 = arith.constant 0 : i32
      %broadcast_in_dim3A_453 = vector.broadcast %broadcast_in_dim3A_452 : i32 to vector<16xi32>
      %select_n3A_454 = arith.select %ne3A_449, %broadcast_in_dim3A_451, %broadcast_in_dim3A_453 : vector<16xi1>, vector<16xi32>
      tpu.vector_store_idx %arg8[%add3A_399, %gather3A_44], %select_n3A_454 : memref<16x512xi32, #tpu.memory_space<vmem>>[vector<16xi32>, vector<16xi32>], vector<16xi32>,
      %and3A_455 = arith.andi %gather3A_427, %gather3A_71 : vector<16xi32>
      %ne3A_456 = arith.constant 0 : i32
      %ne3A_457 = vector.broadcast %ne3A_456 : i32 to vector<16xi32>
      %ne3A_458 = arith.cmpi ne, %and3A_455, %ne3A_457 : vector<16xi32>
      %broadcast_in_dim3A_459 = arith.constant 1 : i32
      %broadcast_in_dim3A_460 = vector.broadcast %broadcast_in_dim3A_459 : i32 to vector<16xi32>
      %broadcast_in_dim3A_461 = arith.constant 0 : i32
      %broadcast_in_dim3A_462 = vector.broadcast %broadcast_in_dim3A_461 : i32 to vector<16xi32>
      %select_n3A_463 = arith.select %ne3A_458, %broadcast_in_dim3A_460, %broadcast_in_dim3A_462 : vector<16xi1>, vector<16xi32>
      tpu.vector_store_idx %arg8[%add3A_399, %gather3A_47], %select_n3A_463 : memref<16x512xi32, #tpu.memory_space<vmem>>[vector<16xi32>, vector<16xi32>], vector<16xi32>,
      %and3A_464 = arith.andi %gather3A_427, %gather3A_74 : vector<16xi32>
      %ne3A_465 = arith.constant 0 : i32
      %ne3A_466 = vector.broadcast %ne3A_465 : i32 to vector<16xi32>
      %ne3A_467 = arith.cmpi ne, %and3A_464, %ne3A_466 : vector<16xi32>
      %broadcast_in_dim3A_468 = arith.constant 1 : i32
      %broadcast_in_dim3A_469 = vector.broadcast %broadcast_in_dim3A_468 : i32 to vector<16xi32>
      %broadcast_in_dim3A_470 = arith.constant 0 : i32
      %broadcast_in_dim3A_471 = vector.broadcast %broadcast_in_dim3A_470 : i32 to vector<16xi32>
      %select_n3A_472 = arith.select %ne3A_467, %broadcast_in_dim3A_469, %broadcast_in_dim3A_471 : vector<16xi1>, vector<16xi32>
      tpu.vector_store_idx %arg8[%add3A_399, %gather3A_50], %select_n3A_472 : memref<16x512xi32, #tpu.memory_space<vmem>>[vector<16xi32>, vector<16xi32>], vector<16xi32>,
      %and3A_473 = arith.andi %gather3A_427, %gather3A_77 : vector<16xi32>
      %ne3A_474 = arith.constant 0 : i32
      %ne3A_475 = vector.broadcast %ne3A_474 : i32 to vector<16xi32>
      %ne3A_476 = arith.cmpi ne, %and3A_473, %ne3A_475 : vector<16xi32>
      %broadcast_in_dim3A_477 = arith.constant 1 : i32
      %broadcast_in_dim3A_478 = vector.broadcast %broadcast_in_dim3A_477 : i32 to vector<16xi32>
      %broadcast_in_dim3A_479 = arith.constant 0 : i32
      %broadcast_in_dim3A_480 = vector.broadcast %broadcast_in_dim3A_479 : i32 to vector<16xi32>
      %select_n3A_481 = arith.select %ne3A_476, %broadcast_in_dim3A_478, %broadcast_in_dim3A_480 : vector<16xi1>, vector<16xi32>
      tpu.vector_store_idx %arg8[%add3A_399, %gather3A_53], %select_n3A_481 : memref<16x512xi32, #tpu.memory_space<vmem>>[vector<16xi32>, vector<16xi32>], vector<16xi32>,
      %and3A_482 = arith.andi %gather3A_427, %gather3A_80 : vector<16xi32>
      %ne3A_483 = arith.constant 0 : i32
      %ne3A_484 = vector.broadcast %ne3A_483 : i32 to vector<16xi32>
      %ne3A_485 = arith.cmpi ne, %and3A_482, %ne3A_484 : vector<16xi32>
      %broadcast_in_dim3A_486 = arith.constant 1 : i32
      %broadcast_in_dim3A_487 = vector.broadcast %broadcast_in_dim3A_486 : i32 to vector<16xi32>
      %broadcast_in_dim3A_488 = arith.constant 0 : i32
      %broadcast_in_dim3A_489 = vector.broadcast %broadcast_in_dim3A_488 : i32 to vector<16xi32>
      %select_n3A_490 = arith.select %ne3A_485, %broadcast_in_dim3A_487, %broadcast_in_dim3A_489 : vector<16xi1>, vector<16xi32>
      tpu.vector_store_idx %arg8[%add3A_399, %gather3A_56], %select_n3A_490 : memref<16x512xi32, #tpu.memory_space<vmem>>[vector<16xi32>, vector<16xi32>], vector<16xi32>,
      %and3A_491 = arith.andi %gather3A_427, %gather3A_83 : vector<16xi32>
      %ne3A_492 = arith.constant 0 : i32
      %ne3A_493 = vector.broadcast %ne3A_492 : i32 to vector<16xi32>
      %ne3A_494 = arith.cmpi ne, %and3A_491, %ne3A_493 : vector<16xi32>
      %broadcast_in_dim3A_495 = arith.constant 1 : i32
      %broadcast_in_dim3A_496 = vector.broadcast %broadcast_in_dim3A_495 : i32 to vector<16xi32>
      %broadcast_in_dim3A_497 = arith.constant 0 : i32
      %broadcast_in_dim3A_498 = vector.broadcast %broadcast_in_dim3A_497 : i32 to vector<16xi32>
      %select_n3A_499 = arith.select %ne3A_494, %broadcast_in_dim3A_496, %broadcast_in_dim3A_498 : vector<16xi1>, vector<16xi32>
      tpu.vector_store_idx %arg8[%add3A_399, %gather3A_59], %select_n3A_499 : memref<16x512xi32, #tpu.memory_space<vmem>>[vector<16xi32>, vector<16xi32>], vector<16xi32>,
      %mul3A_500 = arith.constant 16 : i32
      %mul3A_501 = arith.muli %add3A_389, %mul3A_500 : i32
      %add3A_502 = arith.addi %mul3A_2, %mul3A_501 : i32
      %dma_start3A_503 = arith.constant 0 : i32
      %dma_start3A_504 = tpu.memref_slice %arg4[%add3A_502, %dma_start3A_503] : memref<65536x512xi32, #tpu.memory_space<hbm>> -> memref<16x512xi32, #tpu.memory_space<hbm>>
      %dma_start3A_505 = arith.constant 0 : i32
      %dma_start3A_506 = tpu.memref_slice %arg4[%add3A_502, %dma_start3A_505] : memref<65536x512xi32, #tpu.memory_space<hbm>> -> memref<16x512xi32, #tpu.memory_space<hbm>>
      tpu.enqueue_dma source(%arg8 : memref<16x512xi32, #tpu.memory_space<vmem>>) target(%dma_start3A_506 : memref<16x512xi32, #tpu.memory_space<hbm>>) target_semaphore(%arg24 : memref<!tpu.dma_semaphore, #tpu.memory_space<semaphore_mem>>)
      %add3A_507 = arith.constant 6 : i32
      %add3A_508 = arith.addi %add3A_389, %add3A_507 : i32
      %lt3A_509 = arith.constant 128 : i32
      %lt3A_510 = arith.cmpi slt, %add3A_508, %lt3A_509 : i32
      %convert_element_type3A_511 = arith.extui %lt3A_510 : i1 to i32
      %cond3A_512 = arith.constant 0 : i32
      %cond3A_513 = arith.cmpi ne, %convert_element_type3A_511, %cond3A_512 : i32
      scf.if %cond3A_513 {
        %ge3A = arith.constant 2 : i32
        %ge3A_1144 = arith.cmpi sge, %add3A_389, %ge3A : i32
        %convert_element_type3A_1145 = arith.extui %ge3A_1144 : i1 to i32
        %cond3A_1146 = arith.constant 0 : i32
        %cond3A_1147 = arith.cmpi ne, %convert_element_type3A_1145, %cond3A_1146 : i32
        scf.if %cond3A_1147 {
          %sub3A = arith.constant 2 : i32
          %sub3A_1157 = arith.subi %add3A_389, %sub3A : i32
          %mul3A_1158 = arith.constant 16 : i32
          %mul3A_1159 = arith.muli %sub3A_1157, %mul3A_1158 : i32
          %add3A_1160 = arith.addi %mul3A_2, %mul3A_1159 : i32
          %dma_wait3A_1161 = arith.constant 0 : i32
          %dma_wait3A_1162 = tpu.memref_slice %arg4[%add3A_1160, %dma_wait3A_1161] : memref<65536x512xi32, #tpu.memory_space<hbm>> -> memref<16x512xi32, #tpu.memory_space<hbm>>
          %dma_wait3A_1163 = arith.constant 0 : i32
          %dma_wait3A_1164 = tpu.memref_slice %arg4[%add3A_1160, %dma_wait3A_1163] : memref<65536x512xi32, #tpu.memory_space<hbm>> -> memref<16x512xi32, #tpu.memory_space<hbm>>
          tpu.wait_dma2 semaphore(%arg22 : memref<!tpu.dma_semaphore, #tpu.memory_space<semaphore_mem>>) src(%arg6 : memref<16x512xi32, #tpu.memory_space<vmem>>) dst(%dma_wait3A_1164 : memref<16x512xi32, #tpu.memory_space<hbm>>)
        } else {
        }
        %add3A_1148 = arith.constant 6 : i32
        %add3A_1149 = arith.addi %add3A_389, %add3A_1148 : i32
        %mul3A_1150 = arith.constant 16 : i32
        %mul3A_1151 = arith.muli %add3A_1149, %mul3A_1150 : i32
        %add3A_1152 = arith.addi %mul3A_2, %mul3A_1151 : i32
        %dma_start3A_1153 = arith.constant 0 : i32
        %dma_start3A_1154 = tpu.memref_slice %arg2[%add3A_1152, %dma_start3A_1153] : memref<65536x512xi32, #tpu.memory_space<hbm>> -> memref<16x512xi32, #tpu.memory_space<hbm>>
        %dma_start3A_1155 = arith.constant 0 : i32
        %dma_start3A_1156 = tpu.memref_slice %arg2[%add3A_1152, %dma_start3A_1155] : memref<65536x512xi32, #tpu.memory_space<hbm>> -> memref<16x512xi32, #tpu.memory_space<hbm>>
        tpu.enqueue_dma source(%dma_start3A_1156 : memref<16x512xi32, #tpu.memory_space<hbm>>) target(%arg6 : memref<16x512xi32, #tpu.memory_space<vmem>>) target_semaphore(%arg14 : memref<!tpu.dma_semaphore, #tpu.memory_space<semaphore_mem>>)
      } else {
      }
      %add3A_514 = arith.constant 3 : i32
      %add3A_515 = arith.addi %add3A_141, %add3A_514 : i32
      %mul3A_516 = arith.constant 16 : i32
      %mul3A_517 = arith.muli %add3A_515, %mul3A_516 : i32
      %add3A_518 = arith.addi %mul3A_2, %mul3A_517 : i32
      %dma_wait3A_519 = arith.constant 0 : i32
      %dma_wait3A_520 = tpu.memref_slice %arg2[%add3A_518, %dma_wait3A_519] : memref<65536x512xi32, #tpu.memory_space<hbm>> -> memref<16x512xi32, #tpu.memory_space<hbm>>
      %dma_wait3A_521 = arith.constant 0 : i32
      %dma_wait3A_522 = tpu.memref_slice %arg2[%add3A_518, %dma_wait3A_521] : memref<65536x512xi32, #tpu.memory_space<hbm>> -> memref<16x512xi32, #tpu.memory_space<hbm>>
      tpu.wait_dma2 semaphore(%arg17 : memref<!tpu.dma_semaphore, #tpu.memory_space<semaphore_mem>>) src(%dma_wait3A_522 : memref<16x512xi32, #tpu.memory_space<hbm>>) dst(%arg9 : memref<16x512xi32, #tpu.memory_space<vmem>>)
      %broadcast_in_dim3A_523 = arith.constant 0 : i32
      %broadcast_in_dim3A_524 = vector.broadcast %broadcast_in_dim3A_523 : i32 to vector<16xi32>
      %add3A_525 = arith.addi %broadcast_in_dim3A_524, %iota3A : vector<16xi32>
      %broadcast_in_dim3A_526 = arith.constant 0 : i32
      %broadcast_in_dim3A_527 = vector.broadcast %broadcast_in_dim3A_526 : i32 to vector<16xi32>
      %gather3A_528 = tpu.vector_load_idx %arg9[%add3A_525, %gather3A] : memref<16x512xi32, #tpu.memory_space<vmem>>[vector<16xi32>, vector<16xi32>], vector<16xi32>,
      %mul3A_529 = arith.muli %gather3A_528, %gather3A_62 : vector<16xi32>
      %add3A_530 = arith.addi %broadcast_in_dim3A_527, %mul3A_529 : vector<16xi32>
      %gather3A_531 = tpu.vector_load_idx %arg9[%add3A_525, %gather3A_41] : memref<16x512xi32, #tpu.memory_space<vmem>>[vector<16xi32>, vector<16xi32>], vector<16xi32>,
      %mul3A_532 = arith.muli %gather3A_531, %gather3A_65 : vector<16xi32>
      %add3A_533 = arith.addi %add3A_530, %mul3A_532 : vector<16xi32>
      %gather3A_534 = tpu.vector_load_idx %arg9[%add3A_525, %gather3A_44] : memref<16x512xi32, #tpu.memory_space<vmem>>[vector<16xi32>, vector<16xi32>], vector<16xi32>,
      %mul3A_535 = arith.muli %gather3A_534, %gather3A_68 : vector<16xi32>
      %add3A_536 = arith.addi %add3A_533, %mul3A_535 : vector<16xi32>
      %gather3A_537 = tpu.vector_load_idx %arg9[%add3A_525, %gather3A_47] : memref<16x512xi32, #tpu.memory_space<vmem>>[vector<16xi32>, vector<16xi32>], vector<16xi32>,
      %mul3A_538 = arith.muli %gather3A_537, %gather3A_71 : vector<16xi32>
      %add3A_539 = arith.addi %add3A_536, %mul3A_538 : vector<16xi32>
      %gather3A_540 = tpu.vector_load_idx %arg9[%add3A_525, %gather3A_50] : memref<16x512xi32, #tpu.memory_space<vmem>>[vector<16xi32>, vector<16xi32>], vector<16xi32>,
      %mul3A_541 = arith.muli %gather3A_540, %gather3A_74 : vector<16xi32>
      %add3A_542 = arith.addi %add3A_539, %mul3A_541 : vector<16xi32>
      %gather3A_543 = tpu.vector_load_idx %arg9[%add3A_525, %gather3A_53] : memref<16x512xi32, #tpu.memory_space<vmem>>[vector<16xi32>, vector<16xi32>], vector<16xi32>,
      %mul3A_544 = arith.muli %gather3A_543, %gather3A_77 : vector<16xi32>
      %add3A_545 = arith.addi %add3A_542, %mul3A_544 : vector<16xi32>
      %gather3A_546 = tpu.vector_load_idx %arg9[%add3A_525, %gather3A_56] : memref<16x512xi32, #tpu.memory_space<vmem>>[vector<16xi32>, vector<16xi32>], vector<16xi32>,
      %mul3A_547 = arith.muli %gather3A_546, %gather3A_80 : vector<16xi32>
      %add3A_548 = arith.addi %add3A_545, %mul3A_547 : vector<16xi32>
      %gather3A_549 = tpu.vector_load_idx %arg9[%add3A_525, %gather3A_59] : memref<16x512xi32, #tpu.memory_space<vmem>>[vector<16xi32>, vector<16xi32>], vector<16xi32>,
      %mul3A_550 = arith.muli %gather3A_549, %gather3A_83 : vector<16xi32>
      %add3A_551 = arith.addi %add3A_548, %mul3A_550 : vector<16xi32>
      %add3A_552 = arith.addi %broadcast_in_dim3A_85, %add3A_551 : vector<16xi32>
      %gather3A_553 = tpu.vector_load_idx %arg5[%add3A_552] : memref<304xi32, #tpu.memory_space<vmem>>[vector<16xi32>], vector<16xi32>,
      %and3A_554 = arith.andi %gather3A_553, %gather3A_62 : vector<16xi32>
      %ne3A_555 = arith.constant 0 : i32
      %ne3A_556 = vector.broadcast %ne3A_555 : i32 to vector<16xi32>
      %ne3A_557 = arith.cmpi ne, %and3A_554, %ne3A_556 : vector<16xi32>
      %broadcast_in_dim3A_558 = arith.constant 1 : i32
      %broadcast_in_dim3A_559 = vector.broadcast %broadcast_in_dim3A_558 : i32 to vector<16xi32>
      %broadcast_in_dim3A_560 = arith.constant 0 : i32
      %broadcast_in_dim3A_561 = vector.broadcast %broadcast_in_dim3A_560 : i32 to vector<16xi32>
      %select_n3A_562 = arith.select %ne3A_557, %broadcast_in_dim3A_559, %broadcast_in_dim3A_561 : vector<16xi1>, vector<16xi32>
      tpu.vector_store_idx %arg9[%add3A_525, %gather3A], %select_n3A_562 : memref<16x512xi32, #tpu.memory_space<vmem>>[vector<16xi32>, vector<16xi32>], vector<16xi32>,
      %and3A_563 = arith.andi %gather3A_553, %gather3A_65 : vector<16xi32>
      %ne3A_564 = arith.constant 0 : i32
      %ne3A_565 = vector.broadcast %ne3A_564 : i32 to vector<16xi32>
      %ne3A_566 = arith.cmpi ne, %and3A_563, %ne3A_565 : vector<16xi32>
      %broadcast_in_dim3A_567 = arith.constant 1 : i32
      %broadcast_in_dim3A_568 = vector.broadcast %broadcast_in_dim3A_567 : i32 to vector<16xi32>
      %broadcast_in_dim3A_569 = arith.constant 0 : i32
      %broadcast_in_dim3A_570 = vector.broadcast %broadcast_in_dim3A_569 : i32 to vector<16xi32>
      %select_n3A_571 = arith.select %ne3A_566, %broadcast_in_dim3A_568, %broadcast_in_dim3A_570 : vector<16xi1>, vector<16xi32>
      tpu.vector_store_idx %arg9[%add3A_525, %gather3A_41], %select_n3A_571 : memref<16x512xi32, #tpu.memory_space<vmem>>[vector<16xi32>, vector<16xi32>], vector<16xi32>,
      %and3A_572 = arith.andi %gather3A_553, %gather3A_68 : vector<16xi32>
      %ne3A_573 = arith.constant 0 : i32
      %ne3A_574 = vector.broadcast %ne3A_573 : i32 to vector<16xi32>
      %ne3A_575 = arith.cmpi ne, %and3A_572, %ne3A_574 : vector<16xi32>
      %broadcast_in_dim3A_576 = arith.constant 1 : i32
      %broadcast_in_dim3A_577 = vector.broadcast %broadcast_in_dim3A_576 : i32 to vector<16xi32>
      %broadcast_in_dim3A_578 = arith.constant 0 : i32
      %broadcast_in_dim3A_579 = vector.broadcast %broadcast_in_dim3A_578 : i32 to vector<16xi32>
      %select_n3A_580 = arith.select %ne3A_575, %broadcast_in_dim3A_577, %broadcast_in_dim3A_579 : vector<16xi1>, vector<16xi32>
      tpu.vector_store_idx %arg9[%add3A_525, %gather3A_44], %select_n3A_580 : memref<16x512xi32, #tpu.memory_space<vmem>>[vector<16xi32>, vector<16xi32>], vector<16xi32>,
      %and3A_581 = arith.andi %gather3A_553, %gather3A_71 : vector<16xi32>
      %ne3A_582 = arith.constant 0 : i32
      %ne3A_583 = vector.broadcast %ne3A_582 : i32 to vector<16xi32>
      %ne3A_584 = arith.cmpi ne, %and3A_581, %ne3A_583 : vector<16xi32>
      %broadcast_in_dim3A_585 = arith.constant 1 : i32
      %broadcast_in_dim3A_586 = vector.broadcast %broadcast_in_dim3A_585 : i32 to vector<16xi32>
      %broadcast_in_dim3A_587 = arith.constant 0 : i32
      %broadcast_in_dim3A_588 = vector.broadcast %broadcast_in_dim3A_587 : i32 to vector<16xi32>
      %select_n3A_589 = arith.select %ne3A_584, %broadcast_in_dim3A_586, %broadcast_in_dim3A_588 : vector<16xi1>, vector<16xi32>
      tpu.vector_store_idx %arg9[%add3A_525, %gather3A_47], %select_n3A_589 : memref<16x512xi32, #tpu.memory_space<vmem>>[vector<16xi32>, vector<16xi32>], vector<16xi32>,
      %and3A_590 = arith.andi %gather3A_553, %gather3A_74 : vector<16xi32>
      %ne3A_591 = arith.constant 0 : i32
      %ne3A_592 = vector.broadcast %ne3A_591 : i32 to vector<16xi32>
      %ne3A_593 = arith.cmpi ne, %and3A_590, %ne3A_592 : vector<16xi32>
      %broadcast_in_dim3A_594 = arith.constant 1 : i32
      %broadcast_in_dim3A_595 = vector.broadcast %broadcast_in_dim3A_594 : i32 to vector<16xi32>
      %broadcast_in_dim3A_596 = arith.constant 0 : i32
      %broadcast_in_dim3A_597 = vector.broadcast %broadcast_in_dim3A_596 : i32 to vector<16xi32>
      %select_n3A_598 = arith.select %ne3A_593, %broadcast_in_dim3A_595, %broadcast_in_dim3A_597 : vector<16xi1>, vector<16xi32>
      tpu.vector_store_idx %arg9[%add3A_525, %gather3A_50], %select_n3A_598 : memref<16x512xi32, #tpu.memory_space<vmem>>[vector<16xi32>, vector<16xi32>], vector<16xi32>,
      %and3A_599 = arith.andi %gather3A_553, %gather3A_77 : vector<16xi32>
      %ne3A_600 = arith.constant 0 : i32
      %ne3A_601 = vector.broadcast %ne3A_600 : i32 to vector<16xi32>
      %ne3A_602 = arith.cmpi ne, %and3A_599, %ne3A_601 : vector<16xi32>
      %broadcast_in_dim3A_603 = arith.constant 1 : i32
      %broadcast_in_dim3A_604 = vector.broadcast %broadcast_in_dim3A_603 : i32 to vector<16xi32>
      %broadcast_in_dim3A_605 = arith.constant 0 : i32
      %broadcast_in_dim3A_606 = vector.broadcast %broadcast_in_dim3A_605 : i32 to vector<16xi32>
      %select_n3A_607 = arith.select %ne3A_602, %broadcast_in_dim3A_604, %broadcast_in_dim3A_606 : vector<16xi1>, vector<16xi32>
      tpu.vector_store_idx %arg9[%add3A_525, %gather3A_53], %select_n3A_607 : memref<16x512xi32, #tpu.memory_space<vmem>>[vector<16xi32>, vector<16xi32>], vector<16xi32>,
      %and3A_608 = arith.andi %gather3A_553, %gather3A_80 : vector<16xi32>
      %ne3A_609 = arith.constant 0 : i32
      %ne3A_610 = vector.broadcast %ne3A_609 : i32 to vector<16xi32>
      %ne3A_611 = arith.cmpi ne, %and3A_608, %ne3A_610 : vector<16xi32>
      %broadcast_in_dim3A_612 = arith.constant 1 : i32
      %broadcast_in_dim3A_613 = vector.broadcast %broadcast_in_dim3A_612 : i32 to vector<16xi32>
      %broadcast_in_dim3A_614 = arith.constant 0 : i32
      %broadcast_in_dim3A_615 = vector.broadcast %broadcast_in_dim3A_614 : i32 to vector<16xi32>
      %select_n3A_616 = arith.select %ne3A_611, %broadcast_in_dim3A_613, %broadcast_in_dim3A_615 : vector<16xi1>, vector<16xi32>
      tpu.vector_store_idx %arg9[%add3A_525, %gather3A_56], %select_n3A_616 : memref<16x512xi32, #tpu.memory_space<vmem>>[vector<16xi32>, vector<16xi32>], vector<16xi32>,
      %and3A_617 = arith.andi %gather3A_553, %gather3A_83 : vector<16xi32>
      %ne3A_618 = arith.constant 0 : i32
      %ne3A_619 = vector.broadcast %ne3A_618 : i32 to vector<16xi32>
      %ne3A_620 = arith.cmpi ne, %and3A_617, %ne3A_619 : vector<16xi32>
      %broadcast_in_dim3A_621 = arith.constant 1 : i32
      %broadcast_in_dim3A_622 = vector.broadcast %broadcast_in_dim3A_621 : i32 to vector<16xi32>
      %broadcast_in_dim3A_623 = arith.constant 0 : i32
      %broadcast_in_dim3A_624 = vector.broadcast %broadcast_in_dim3A_623 : i32 to vector<16xi32>
      %select_n3A_625 = arith.select %ne3A_620, %broadcast_in_dim3A_622, %broadcast_in_dim3A_624 : vector<16xi1>, vector<16xi32>
      tpu.vector_store_idx %arg9[%add3A_525, %gather3A_59], %select_n3A_625 : memref<16x512xi32, #tpu.memory_space<vmem>>[vector<16xi32>, vector<16xi32>], vector<16xi32>,
      %mul3A_626 = arith.constant 16 : i32
      %mul3A_627 = arith.muli %add3A_515, %mul3A_626 : i32
      %add3A_628 = arith.addi %mul3A_2, %mul3A_627 : i32
      %dma_start3A_629 = arith.constant 0 : i32
      %dma_start3A_630 = tpu.memref_slice %arg4[%add3A_628, %dma_start3A_629] : memref<65536x512xi32, #tpu.memory_space<hbm>> -> memref<16x512xi32, #tpu.memory_space<hbm>>
      %dma_start3A_631 = arith.constant 0 : i32
      %dma_start3A_632 = tpu.memref_slice %arg4[%add3A_628, %dma_start3A_631] : memref<65536x512xi32, #tpu.memory_space<hbm>> -> memref<16x512xi32, #tpu.memory_space<hbm>>
      tpu.enqueue_dma source(%arg9 : memref<16x512xi32, #tpu.memory_space<vmem>>) target(%dma_start3A_632 : memref<16x512xi32, #tpu.memory_space<hbm>>) target_semaphore(%arg25 : memref<!tpu.dma_semaphore, #tpu.memory_space<semaphore_mem>>)
      %add3A_633 = arith.constant 6 : i32
      %add3A_634 = arith.addi %add3A_515, %add3A_633 : i32
      %lt3A_635 = arith.constant 128 : i32
      %lt3A_636 = arith.cmpi slt, %add3A_634, %lt3A_635 : i32
      %convert_element_type3A_637 = arith.extui %lt3A_636 : i1 to i32
      %cond3A_638 = arith.constant 0 : i32
      %cond3A_639 = arith.cmpi ne, %convert_element_type3A_637, %cond3A_638 : i32
      scf.if %cond3A_639 {
        %ge3A = arith.constant 2 : i32
        %ge3A_1144 = arith.cmpi sge, %add3A_515, %ge3A : i32
        %convert_element_type3A_1145 = arith.extui %ge3A_1144 : i1 to i32
        %cond3A_1146 = arith.constant 0 : i32
        %cond3A_1147 = arith.cmpi ne, %convert_element_type3A_1145, %cond3A_1146 : i32
        scf.if %cond3A_1147 {
          %sub3A = arith.constant 2 : i32
          %sub3A_1157 = arith.subi %add3A_515, %sub3A : i32
          %mul3A_1158 = arith.constant 16 : i32
          %mul3A_1159 = arith.muli %sub3A_1157, %mul3A_1158 : i32
          %add3A_1160 = arith.addi %mul3A_2, %mul3A_1159 : i32
          %dma_wait3A_1161 = arith.constant 0 : i32
          %dma_wait3A_1162 = tpu.memref_slice %arg4[%add3A_1160, %dma_wait3A_1161] : memref<65536x512xi32, #tpu.memory_space<hbm>> -> memref<16x512xi32, #tpu.memory_space<hbm>>
          %dma_wait3A_1163 = arith.constant 0 : i32
          %dma_wait3A_1164 = tpu.memref_slice %arg4[%add3A_1160, %dma_wait3A_1163] : memref<65536x512xi32, #tpu.memory_space<hbm>> -> memref<16x512xi32, #tpu.memory_space<hbm>>
          tpu.wait_dma2 semaphore(%arg23 : memref<!tpu.dma_semaphore, #tpu.memory_space<semaphore_mem>>) src(%arg7 : memref<16x512xi32, #tpu.memory_space<vmem>>) dst(%dma_wait3A_1164 : memref<16x512xi32, #tpu.memory_space<hbm>>)
        } else {
        }
        %add3A_1148 = arith.constant 6 : i32
        %add3A_1149 = arith.addi %add3A_515, %add3A_1148 : i32
        %mul3A_1150 = arith.constant 16 : i32
        %mul3A_1151 = arith.muli %add3A_1149, %mul3A_1150 : i32
        %add3A_1152 = arith.addi %mul3A_2, %mul3A_1151 : i32
        %dma_start3A_1153 = arith.constant 0 : i32
        %dma_start3A_1154 = tpu.memref_slice %arg2[%add3A_1152, %dma_start3A_1153] : memref<65536x512xi32, #tpu.memory_space<hbm>> -> memref<16x512xi32, #tpu.memory_space<hbm>>
        %dma_start3A_1155 = arith.constant 0 : i32
        %dma_start3A_1156 = tpu.memref_slice %arg2[%add3A_1152, %dma_start3A_1155] : memref<65536x512xi32, #tpu.memory_space<hbm>> -> memref<16x512xi32, #tpu.memory_space<hbm>>
        tpu.enqueue_dma source(%dma_start3A_1156 : memref<16x512xi32, #tpu.memory_space<hbm>>) target(%arg7 : memref<16x512xi32, #tpu.memory_space<vmem>>) target_semaphore(%arg15 : memref<!tpu.dma_semaphore, #tpu.memory_space<semaphore_mem>>)
      } else {
      }
      %add3A_640 = arith.constant 4 : i32
      %add3A_641 = arith.addi %add3A_141, %add3A_640 : i32
      %mul3A_642 = arith.constant 16 : i32
      %mul3A_643 = arith.muli %add3A_641, %mul3A_642 : i32
      %add3A_644 = arith.addi %mul3A_2, %mul3A_643 : i32
      %dma_wait3A_645 = arith.constant 0 : i32
      %dma_wait3A_646 = tpu.memref_slice %arg2[%add3A_644, %dma_wait3A_645] : memref<65536x512xi32, #tpu.memory_space<hbm>> -> memref<16x512xi32, #tpu.memory_space<hbm>>
      %dma_wait3A_647 = arith.constant 0 : i32
      %dma_wait3A_648 = tpu.memref_slice %arg2[%add3A_644, %dma_wait3A_647] : memref<65536x512xi32, #tpu.memory_space<hbm>> -> memref<16x512xi32, #tpu.memory_space<hbm>>
      tpu.wait_dma2 semaphore(%arg18 : memref<!tpu.dma_semaphore, #tpu.memory_space<semaphore_mem>>) src(%dma_wait3A_648 : memref<16x512xi32, #tpu.memory_space<hbm>>) dst(%arg10 : memref<16x512xi32, #tpu.memory_space<vmem>>)
      %broadcast_in_dim3A_649 = arith.constant 0 : i32
      %broadcast_in_dim3A_650 = vector.broadcast %broadcast_in_dim3A_649 : i32 to vector<16xi32>
      %add3A_651 = arith.addi %broadcast_in_dim3A_650, %iota3A : vector<16xi32>
      %broadcast_in_dim3A_652 = arith.constant 0 : i32
      %broadcast_in_dim3A_653 = vector.broadcast %broadcast_in_dim3A_652 : i32 to vector<16xi32>
      %gather3A_654 = tpu.vector_load_idx %arg10[%add3A_651, %gather3A] : memref<16x512xi32, #tpu.memory_space<vmem>>[vector<16xi32>, vector<16xi32>], vector<16xi32>,
      %mul3A_655 = arith.muli %gather3A_654, %gather3A_62 : vector<16xi32>
      %add3A_656 = arith.addi %broadcast_in_dim3A_653, %mul3A_655 : vector<16xi32>
      %gather3A_657 = tpu.vector_load_idx %arg10[%add3A_651, %gather3A_41] : memref<16x512xi32, #tpu.memory_space<vmem>>[vector<16xi32>, vector<16xi32>], vector<16xi32>,
      %mul3A_658 = arith.muli %gather3A_657, %gather3A_65 : vector<16xi32>
      %add3A_659 = arith.addi %add3A_656, %mul3A_658 : vector<16xi32>
      %gather3A_660 = tpu.vector_load_idx %arg10[%add3A_651, %gather3A_44] : memref<16x512xi32, #tpu.memory_space<vmem>>[vector<16xi32>, vector<16xi32>], vector<16xi32>,
      %mul3A_661 = arith.muli %gather3A_660, %gather3A_68 : vector<16xi32>
      %add3A_662 = arith.addi %add3A_659, %mul3A_661 : vector<16xi32>
      %gather3A_663 = tpu.vector_load_idx %arg10[%add3A_651, %gather3A_47] : memref<16x512xi32, #tpu.memory_space<vmem>>[vector<16xi32>, vector<16xi32>], vector<16xi32>,
      %mul3A_664 = arith.muli %gather3A_663, %gather3A_71 : vector<16xi32>
      %add3A_665 = arith.addi %add3A_662, %mul3A_664 : vector<16xi32>
      %gather3A_666 = tpu.vector_load_idx %arg10[%add3A_651, %gather3A_50] : memref<16x512xi32, #tpu.memory_space<vmem>>[vector<16xi32>, vector<16xi32>], vector<16xi32>,
      %mul3A_667 = arith.muli %gather3A_666, %gather3A_74 : vector<16xi32>
      %add3A_668 = arith.addi %add3A_665, %mul3A_667 : vector<16xi32>
      %gather3A_669 = tpu.vector_load_idx %arg10[%add3A_651, %gather3A_53] : memref<16x512xi32, #tpu.memory_space<vmem>>[vector<16xi32>, vector<16xi32>], vector<16xi32>,
      %mul3A_670 = arith.muli %gather3A_669, %gather3A_77 : vector<16xi32>
      %add3A_671 = arith.addi %add3A_668, %mul3A_670 : vector<16xi32>
      %gather3A_672 = tpu.vector_load_idx %arg10[%add3A_651, %gather3A_56] : memref<16x512xi32, #tpu.memory_space<vmem>>[vector<16xi32>, vector<16xi32>], vector<16xi32>,
      %mul3A_673 = arith.muli %gather3A_672, %gather3A_80 : vector<16xi32>
      %add3A_674 = arith.addi %add3A_671, %mul3A_673 : vector<16xi32>
      %gather3A_675 = tpu.vector_load_idx %arg10[%add3A_651, %gather3A_59] : memref<16x512xi32, #tpu.memory_space<vmem>>[vector<16xi32>, vector<16xi32>], vector<16xi32>,
      %mul3A_676 = arith.muli %gather3A_675, %gather3A_83 : vector<16xi32>
      %add3A_677 = arith.addi %add3A_674, %mul3A_676 : vector<16xi32>
      %add3A_678 = arith.addi %broadcast_in_dim3A_85, %add3A_677 : vector<16xi32>
      %gather3A_679 = tpu.vector_load_idx %arg5[%add3A_678] : memref<304xi32, #tpu.memory_space<vmem>>[vector<16xi32>], vector<16xi32>,
      %and3A_680 = arith.andi %gather3A_679, %gather3A_62 : vector<16xi32>
      %ne3A_681 = arith.constant 0 : i32
      %ne3A_682 = vector.broadcast %ne3A_681 : i32 to vector<16xi32>
      %ne3A_683 = arith.cmpi ne, %and3A_680, %ne3A_682 : vector<16xi32>
      %broadcast_in_dim3A_684 = arith.constant 1 : i32
      %broadcast_in_dim3A_685 = vector.broadcast %broadcast_in_dim3A_684 : i32 to vector<16xi32>
      %broadcast_in_dim3A_686 = arith.constant 0 : i32
      %broadcast_in_dim3A_687 = vector.broadcast %broadcast_in_dim3A_686 : i32 to vector<16xi32>
      %select_n3A_688 = arith.select %ne3A_683, %broadcast_in_dim3A_685, %broadcast_in_dim3A_687 : vector<16xi1>, vector<16xi32>
      tpu.vector_store_idx %arg10[%add3A_651, %gather3A], %select_n3A_688 : memref<16x512xi32, #tpu.memory_space<vmem>>[vector<16xi32>, vector<16xi32>], vector<16xi32>,
      %and3A_689 = arith.andi %gather3A_679, %gather3A_65 : vector<16xi32>
      %ne3A_690 = arith.constant 0 : i32
      %ne3A_691 = vector.broadcast %ne3A_690 : i32 to vector<16xi32>
      %ne3A_692 = arith.cmpi ne, %and3A_689, %ne3A_691 : vector<16xi32>
      %broadcast_in_dim3A_693 = arith.constant 1 : i32
      %broadcast_in_dim3A_694 = vector.broadcast %broadcast_in_dim3A_693 : i32 to vector<16xi32>
      %broadcast_in_dim3A_695 = arith.constant 0 : i32
      %broadcast_in_dim3A_696 = vector.broadcast %broadcast_in_dim3A_695 : i32 to vector<16xi32>
      %select_n3A_697 = arith.select %ne3A_692, %broadcast_in_dim3A_694, %broadcast_in_dim3A_696 : vector<16xi1>, vector<16xi32>
      tpu.vector_store_idx %arg10[%add3A_651, %gather3A_41], %select_n3A_697 : memref<16x512xi32, #tpu.memory_space<vmem>>[vector<16xi32>, vector<16xi32>], vector<16xi32>,
      %and3A_698 = arith.andi %gather3A_679, %gather3A_68 : vector<16xi32>
      %ne3A_699 = arith.constant 0 : i32
      %ne3A_700 = vector.broadcast %ne3A_699 : i32 to vector<16xi32>
      %ne3A_701 = arith.cmpi ne, %and3A_698, %ne3A_700 : vector<16xi32>
      %broadcast_in_dim3A_702 = arith.constant 1 : i32
      %broadcast_in_dim3A_703 = vector.broadcast %broadcast_in_dim3A_702 : i32 to vector<16xi32>
      %broadcast_in_dim3A_704 = arith.constant 0 : i32
      %broadcast_in_dim3A_705 = vector.broadcast %broadcast_in_dim3A_704 : i32 to vector<16xi32>
      %select_n3A_706 = arith.select %ne3A_701, %broadcast_in_dim3A_703, %broadcast_in_dim3A_705 : vector<16xi1>, vector<16xi32>
      tpu.vector_store_idx %arg10[%add3A_651, %gather3A_44], %select_n3A_706 : memref<16x512xi32, #tpu.memory_space<vmem>>[vector<16xi32>, vector<16xi32>], vector<16xi32>,
      %and3A_707 = arith.andi %gather3A_679, %gather3A_71 : vector<16xi32>
      %ne3A_708 = arith.constant 0 : i32
      %ne3A_709 = vector.broadcast %ne3A_708 : i32 to vector<16xi32>
      %ne3A_710 = arith.cmpi ne, %and3A_707, %ne3A_709 : vector<16xi32>
      %broadcast_in_dim3A_711 = arith.constant 1 : i32
      %broadcast_in_dim3A_712 = vector.broadcast %broadcast_in_dim3A_711 : i32 to vector<16xi32>
      %broadcast_in_dim3A_713 = arith.constant 0 : i32
      %broadcast_in_dim3A_714 = vector.broadcast %broadcast_in_dim3A_713 : i32 to vector<16xi32>
      %select_n3A_715 = arith.select %ne3A_710, %broadcast_in_dim3A_712, %broadcast_in_dim3A_714 : vector<16xi1>, vector<16xi32>
      tpu.vector_store_idx %arg10[%add3A_651, %gather3A_47], %select_n3A_715 : memref<16x512xi32, #tpu.memory_space<vmem>>[vector<16xi32>, vector<16xi32>], vector<16xi32>,
      %and3A_716 = arith.andi %gather3A_679, %gather3A_74 : vector<16xi32>
      %ne3A_717 = arith.constant 0 : i32
      %ne3A_718 = vector.broadcast %ne3A_717 : i32 to vector<16xi32>
      %ne3A_719 = arith.cmpi ne, %and3A_716, %ne3A_718 : vector<16xi32>
      %broadcast_in_dim3A_720 = arith.constant 1 : i32
      %broadcast_in_dim3A_721 = vector.broadcast %broadcast_in_dim3A_720 : i32 to vector<16xi32>
      %broadcast_in_dim3A_722 = arith.constant 0 : i32
      %broadcast_in_dim3A_723 = vector.broadcast %broadcast_in_dim3A_722 : i32 to vector<16xi32>
      %select_n3A_724 = arith.select %ne3A_719, %broadcast_in_dim3A_721, %broadcast_in_dim3A_723 : vector<16xi1>, vector<16xi32>
      tpu.vector_store_idx %arg10[%add3A_651, %gather3A_50], %select_n3A_724 : memref<16x512xi32, #tpu.memory_space<vmem>>[vector<16xi32>, vector<16xi32>], vector<16xi32>,
      %and3A_725 = arith.andi %gather3A_679, %gather3A_77 : vector<16xi32>
      %ne3A_726 = arith.constant 0 : i32
      %ne3A_727 = vector.broadcast %ne3A_726 : i32 to vector<16xi32>
      %ne3A_728 = arith.cmpi ne, %and3A_725, %ne3A_727 : vector<16xi32>
      %broadcast_in_dim3A_729 = arith.constant 1 : i32
      %broadcast_in_dim3A_730 = vector.broadcast %broadcast_in_dim3A_729 : i32 to vector<16xi32>
      %broadcast_in_dim3A_731 = arith.constant 0 : i32
      %broadcast_in_dim3A_732 = vector.broadcast %broadcast_in_dim3A_731 : i32 to vector<16xi32>
      %select_n3A_733 = arith.select %ne3A_728, %broadcast_in_dim3A_730, %broadcast_in_dim3A_732 : vector<16xi1>, vector<16xi32>
      tpu.vector_store_idx %arg10[%add3A_651, %gather3A_53], %select_n3A_733 : memref<16x512xi32, #tpu.memory_space<vmem>>[vector<16xi32>, vector<16xi32>], vector<16xi32>,
      %and3A_734 = arith.andi %gather3A_679, %gather3A_80 : vector<16xi32>
      %ne3A_735 = arith.constant 0 : i32
      %ne3A_736 = vector.broadcast %ne3A_735 : i32 to vector<16xi32>
      %ne3A_737 = arith.cmpi ne, %and3A_734, %ne3A_736 : vector<16xi32>
      %broadcast_in_dim3A_738 = arith.constant 1 : i32
      %broadcast_in_dim3A_739 = vector.broadcast %broadcast_in_dim3A_738 : i32 to vector<16xi32>
      %broadcast_in_dim3A_740 = arith.constant 0 : i32
      %broadcast_in_dim3A_741 = vector.broadcast %broadcast_in_dim3A_740 : i32 to vector<16xi32>
      %select_n3A_742 = arith.select %ne3A_737, %broadcast_in_dim3A_739, %broadcast_in_dim3A_741 : vector<16xi1>, vector<16xi32>
      tpu.vector_store_idx %arg10[%add3A_651, %gather3A_56], %select_n3A_742 : memref<16x512xi32, #tpu.memory_space<vmem>>[vector<16xi32>, vector<16xi32>], vector<16xi32>,
      %and3A_743 = arith.andi %gather3A_679, %gather3A_83 : vector<16xi32>
      %ne3A_744 = arith.constant 0 : i32
      %ne3A_745 = vector.broadcast %ne3A_744 : i32 to vector<16xi32>
      %ne3A_746 = arith.cmpi ne, %and3A_743, %ne3A_745 : vector<16xi32>
      %broadcast_in_dim3A_747 = arith.constant 1 : i32
      %broadcast_in_dim3A_748 = vector.broadcast %broadcast_in_dim3A_747 : i32 to vector<16xi32>
      %broadcast_in_dim3A_749 = arith.constant 0 : i32
      %broadcast_in_dim3A_750 = vector.broadcast %broadcast_in_dim3A_749 : i32 to vector<16xi32>
      %select_n3A_751 = arith.select %ne3A_746, %broadcast_in_dim3A_748, %broadcast_in_dim3A_750 : vector<16xi1>, vector<16xi32>
      tpu.vector_store_idx %arg10[%add3A_651, %gather3A_59], %select_n3A_751 : memref<16x512xi32, #tpu.memory_space<vmem>>[vector<16xi32>, vector<16xi32>], vector<16xi32>,
      %mul3A_752 = arith.constant 16 : i32
      %mul3A_753 = arith.muli %add3A_641, %mul3A_752 : i32
      %add3A_754 = arith.addi %mul3A_2, %mul3A_753 : i32
      %dma_start3A_755 = arith.constant 0 : i32
      %dma_start3A_756 = tpu.memref_slice %arg4[%add3A_754, %dma_start3A_755] : memref<65536x512xi32, #tpu.memory_space<hbm>> -> memref<16x512xi32, #tpu.memory_space<hbm>>
      %dma_start3A_757 = arith.constant 0 : i32
      %dma_start3A_758 = tpu.memref_slice %arg4[%add3A_754, %dma_start3A_757] : memref<65536x512xi32, #tpu.memory_space<hbm>> -> memref<16x512xi32, #tpu.memory_space<hbm>>
      tpu.enqueue_dma source(%arg10 : memref<16x512xi32, #tpu.memory_space<vmem>>) target(%dma_start3A_758 : memref<16x512xi32, #tpu.memory_space<hbm>>) target_semaphore(%arg26 : memref<!tpu.dma_semaphore, #tpu.memory_space<semaphore_mem>>)
      %add3A_759 = arith.constant 6 : i32
      %add3A_760 = arith.addi %add3A_641, %add3A_759 : i32
      %lt3A_761 = arith.constant 128 : i32
      %lt3A_762 = arith.cmpi slt, %add3A_760, %lt3A_761 : i32
      %convert_element_type3A_763 = arith.extui %lt3A_762 : i1 to i32
      %cond3A_764 = arith.constant 0 : i32
      %cond3A_765 = arith.cmpi ne, %convert_element_type3A_763, %cond3A_764 : i32
      scf.if %cond3A_765 {
        %ge3A = arith.constant 2 : i32
        %ge3A_1144 = arith.cmpi sge, %add3A_641, %ge3A : i32
        %convert_element_type3A_1145 = arith.extui %ge3A_1144 : i1 to i32
        %cond3A_1146 = arith.constant 0 : i32
        %cond3A_1147 = arith.cmpi ne, %convert_element_type3A_1145, %cond3A_1146 : i32
        scf.if %cond3A_1147 {
          %sub3A = arith.constant 2 : i32
          %sub3A_1157 = arith.subi %add3A_641, %sub3A : i32
          %mul3A_1158 = arith.constant 16 : i32
          %mul3A_1159 = arith.muli %sub3A_1157, %mul3A_1158 : i32
          %add3A_1160 = arith.addi %mul3A_2, %mul3A_1159 : i32
          %dma_wait3A_1161 = arith.constant 0 : i32
          %dma_wait3A_1162 = tpu.memref_slice %arg4[%add3A_1160, %dma_wait3A_1161] : memref<65536x512xi32, #tpu.memory_space<hbm>> -> memref<16x512xi32, #tpu.memory_space<hbm>>
          %dma_wait3A_1163 = arith.constant 0 : i32
          %dma_wait3A_1164 = tpu.memref_slice %arg4[%add3A_1160, %dma_wait3A_1163] : memref<65536x512xi32, #tpu.memory_space<hbm>> -> memref<16x512xi32, #tpu.memory_space<hbm>>
          tpu.wait_dma2 semaphore(%arg24 : memref<!tpu.dma_semaphore, #tpu.memory_space<semaphore_mem>>) src(%arg8 : memref<16x512xi32, #tpu.memory_space<vmem>>) dst(%dma_wait3A_1164 : memref<16x512xi32, #tpu.memory_space<hbm>>)
        } else {
        }
        %add3A_1148 = arith.constant 6 : i32
        %add3A_1149 = arith.addi %add3A_641, %add3A_1148 : i32
        %mul3A_1150 = arith.constant 16 : i32
        %mul3A_1151 = arith.muli %add3A_1149, %mul3A_1150 : i32
        %add3A_1152 = arith.addi %mul3A_2, %mul3A_1151 : i32
        %dma_start3A_1153 = arith.constant 0 : i32
        %dma_start3A_1154 = tpu.memref_slice %arg2[%add3A_1152, %dma_start3A_1153] : memref<65536x512xi32, #tpu.memory_space<hbm>> -> memref<16x512xi32, #tpu.memory_space<hbm>>
        %dma_start3A_1155 = arith.constant 0 : i32
        %dma_start3A_1156 = tpu.memref_slice %arg2[%add3A_1152, %dma_start3A_1155] : memref<65536x512xi32, #tpu.memory_space<hbm>> -> memref<16x512xi32, #tpu.memory_space<hbm>>
        tpu.enqueue_dma source(%dma_start3A_1156 : memref<16x512xi32, #tpu.memory_space<hbm>>) target(%arg8 : memref<16x512xi32, #tpu.memory_space<vmem>>) target_semaphore(%arg16 : memref<!tpu.dma_semaphore, #tpu.memory_space<semaphore_mem>>)
      } else {
      }
      %add3A_766 = arith.constant 5 : i32
      %add3A_767 = arith.addi %add3A_141, %add3A_766 : i32
      %mul3A_768 = arith.constant 16 : i32
      %mul3A_769 = arith.muli %add3A_767, %mul3A_768 : i32
      %add3A_770 = arith.addi %mul3A_2, %mul3A_769 : i32
      %dma_wait3A_771 = arith.constant 0 : i32
      %dma_wait3A_772 = tpu.memref_slice %arg2[%add3A_770, %dma_wait3A_771] : memref<65536x512xi32, #tpu.memory_space<hbm>> -> memref<16x512xi32, #tpu.memory_space<hbm>>
      %dma_wait3A_773 = arith.constant 0 : i32
      %dma_wait3A_774 = tpu.memref_slice %arg2[%add3A_770, %dma_wait3A_773] : memref<65536x512xi32, #tpu.memory_space<hbm>> -> memref<16x512xi32, #tpu.memory_space<hbm>>
      tpu.wait_dma2 semaphore(%arg19 : memref<!tpu.dma_semaphore, #tpu.memory_space<semaphore_mem>>) src(%dma_wait3A_774 : memref<16x512xi32, #tpu.memory_space<hbm>>) dst(%arg11 : memref<16x512xi32, #tpu.memory_space<vmem>>)
      %broadcast_in_dim3A_775 = arith.constant 0 : i32
      %broadcast_in_dim3A_776 = vector.broadcast %broadcast_in_dim3A_775 : i32 to vector<16xi32>
      %add3A_777 = arith.addi %broadcast_in_dim3A_776, %iota3A : vector<16xi32>
      %broadcast_in_dim3A_778 = arith.constant 0 : i32
      %broadcast_in_dim3A_779 = vector.broadcast %broadcast_in_dim3A_778 : i32 to vector<16xi32>
      %gather3A_780 = tpu.vector_load_idx %arg11[%add3A_777, %gather3A] : memref<16x512xi32, #tpu.memory_space<vmem>>[vector<16xi32>, vector<16xi32>], vector<16xi32>,
      %mul3A_781 = arith.muli %gather3A_780, %gather3A_62 : vector<16xi32>
      %add3A_782 = arith.addi %broadcast_in_dim3A_779, %mul3A_781 : vector<16xi32>
      %gather3A_783 = tpu.vector_load_idx %arg11[%add3A_777, %gather3A_41] : memref<16x512xi32, #tpu.memory_space<vmem>>[vector<16xi32>, vector<16xi32>], vector<16xi32>,
      %mul3A_784 = arith.muli %gather3A_783, %gather3A_65 : vector<16xi32>
      %add3A_785 = arith.addi %add3A_782, %mul3A_784 : vector<16xi32>
      %gather3A_786 = tpu.vector_load_idx %arg11[%add3A_777, %gather3A_44] : memref<16x512xi32, #tpu.memory_space<vmem>>[vector<16xi32>, vector<16xi32>], vector<16xi32>,
      %mul3A_787 = arith.muli %gather3A_786, %gather3A_68 : vector<16xi32>
      %add3A_788 = arith.addi %add3A_785, %mul3A_787 : vector<16xi32>
      %gather3A_789 = tpu.vector_load_idx %arg11[%add3A_777, %gather3A_47] : memref<16x512xi32, #tpu.memory_space<vmem>>[vector<16xi32>, vector<16xi32>], vector<16xi32>,
      %mul3A_790 = arith.muli %gather3A_789, %gather3A_71 : vector<16xi32>
      %add3A_791 = arith.addi %add3A_788, %mul3A_790 : vector<16xi32>
      %gather3A_792 = tpu.vector_load_idx %arg11[%add3A_777, %gather3A_50] : memref<16x512xi32, #tpu.memory_space<vmem>>[vector<16xi32>, vector<16xi32>], vector<16xi32>,
      %mul3A_793 = arith.muli %gather3A_792, %gather3A_74 : vector<16xi32>
      %add3A_794 = arith.addi %add3A_791, %mul3A_793 : vector<16xi32>
      %gather3A_795 = tpu.vector_load_idx %arg11[%add3A_777, %gather3A_53] : memref<16x512xi32, #tpu.memory_space<vmem>>[vector<16xi32>, vector<16xi32>], vector<16xi32>,
      %mul3A_796 = arith.muli %gather3A_795, %gather3A_77 : vector<16xi32>
      %add3A_797 = arith.addi %add3A_794, %mul3A_796 : vector<16xi32>
      %gather3A_798 = tpu.vector_load_idx %arg11[%add3A_777, %gather3A_56] : memref<16x512xi32, #tpu.memory_space<vmem>>[vector<16xi32>, vector<16xi32>], vector<16xi32>,
      %mul3A_799 = arith.muli %gather3A_798, %gather3A_80 : vector<16xi32>
      %add3A_800 = arith.addi %add3A_797, %mul3A_799 : vector<16xi32>
      %gather3A_801 = tpu.vector_load_idx %arg11[%add3A_777, %gather3A_59] : memref<16x512xi32, #tpu.memory_space<vmem>>[vector<16xi32>, vector<16xi32>], vector<16xi32>,
      %mul3A_802 = arith.muli %gather3A_801, %gather3A_83 : vector<16xi32>
      %add3A_803 = arith.addi %add3A_800, %mul3A_802 : vector<16xi32>
      %add3A_804 = arith.addi %broadcast_in_dim3A_85, %add3A_803 : vector<16xi32>
      %gather3A_805 = tpu.vector_load_idx %arg5[%add3A_804] : memref<304xi32, #tpu.memory_space<vmem>>[vector<16xi32>], vector<16xi32>,
      %and3A_806 = arith.andi %gather3A_805, %gather3A_62 : vector<16xi32>
      %ne3A_807 = arith.constant 0 : i32
      %ne3A_808 = vector.broadcast %ne3A_807 : i32 to vector<16xi32>
      %ne3A_809 = arith.cmpi ne, %and3A_806, %ne3A_808 : vector<16xi32>
      %broadcast_in_dim3A_810 = arith.constant 1 : i32
      %broadcast_in_dim3A_811 = vector.broadcast %broadcast_in_dim3A_810 : i32 to vector<16xi32>
      %broadcast_in_dim3A_812 = arith.constant 0 : i32
      %broadcast_in_dim3A_813 = vector.broadcast %broadcast_in_dim3A_812 : i32 to vector<16xi32>
      %select_n3A_814 = arith.select %ne3A_809, %broadcast_in_dim3A_811, %broadcast_in_dim3A_813 : vector<16xi1>, vector<16xi32>
      tpu.vector_store_idx %arg11[%add3A_777, %gather3A], %select_n3A_814 : memref<16x512xi32, #tpu.memory_space<vmem>>[vector<16xi32>, vector<16xi32>], vector<16xi32>,
      %and3A_815 = arith.andi %gather3A_805, %gather3A_65 : vector<16xi32>
      %ne3A_816 = arith.constant 0 : i32
      %ne3A_817 = vector.broadcast %ne3A_816 : i32 to vector<16xi32>
      %ne3A_818 = arith.cmpi ne, %and3A_815, %ne3A_817 : vector<16xi32>
      %broadcast_in_dim3A_819 = arith.constant 1 : i32
      %broadcast_in_dim3A_820 = vector.broadcast %broadcast_in_dim3A_819 : i32 to vector<16xi32>
      %broadcast_in_dim3A_821 = arith.constant 0 : i32
      %broadcast_in_dim3A_822 = vector.broadcast %broadcast_in_dim3A_821 : i32 to vector<16xi32>
      %select_n3A_823 = arith.select %ne3A_818, %broadcast_in_dim3A_820, %broadcast_in_dim3A_822 : vector<16xi1>, vector<16xi32>
      tpu.vector_store_idx %arg11[%add3A_777, %gather3A_41], %select_n3A_823 : memref<16x512xi32, #tpu.memory_space<vmem>>[vector<16xi32>, vector<16xi32>], vector<16xi32>,
      %and3A_824 = arith.andi %gather3A_805, %gather3A_68 : vector<16xi32>
      %ne3A_825 = arith.constant 0 : i32
      %ne3A_826 = vector.broadcast %ne3A_825 : i32 to vector<16xi32>
      %ne3A_827 = arith.cmpi ne, %and3A_824, %ne3A_826 : vector<16xi32>
      %broadcast_in_dim3A_828 = arith.constant 1 : i32
      %broadcast_in_dim3A_829 = vector.broadcast %broadcast_in_dim3A_828 : i32 to vector<16xi32>
      %broadcast_in_dim3A_830 = arith.constant 0 : i32
      %broadcast_in_dim3A_831 = vector.broadcast %broadcast_in_dim3A_830 : i32 to vector<16xi32>
      %select_n3A_832 = arith.select %ne3A_827, %broadcast_in_dim3A_829, %broadcast_in_dim3A_831 : vector<16xi1>, vector<16xi32>
      tpu.vector_store_idx %arg11[%add3A_777, %gather3A_44], %select_n3A_832 : memref<16x512xi32, #tpu.memory_space<vmem>>[vector<16xi32>, vector<16xi32>], vector<16xi32>,
      %and3A_833 = arith.andi %gather3A_805, %gather3A_71 : vector<16xi32>
      %ne3A_834 = arith.constant 0 : i32
      %ne3A_835 = vector.broadcast %ne3A_834 : i32 to vector<16xi32>
      %ne3A_836 = arith.cmpi ne, %and3A_833, %ne3A_835 : vector<16xi32>
      %broadcast_in_dim3A_837 = arith.constant 1 : i32
      %broadcast_in_dim3A_838 = vector.broadcast %broadcast_in_dim3A_837 : i32 to vector<16xi32>
      %broadcast_in_dim3A_839 = arith.constant 0 : i32
      %broadcast_in_dim3A_840 = vector.broadcast %broadcast_in_dim3A_839 : i32 to vector<16xi32>
      %select_n3A_841 = arith.select %ne3A_836, %broadcast_in_dim3A_838, %broadcast_in_dim3A_840 : vector<16xi1>, vector<16xi32>
      tpu.vector_store_idx %arg11[%add3A_777, %gather3A_47], %select_n3A_841 : memref<16x512xi32, #tpu.memory_space<vmem>>[vector<16xi32>, vector<16xi32>], vector<16xi32>,
      %and3A_842 = arith.andi %gather3A_805, %gather3A_74 : vector<16xi32>
      %ne3A_843 = arith.constant 0 : i32
      %ne3A_844 = vector.broadcast %ne3A_843 : i32 to vector<16xi32>
      %ne3A_845 = arith.cmpi ne, %and3A_842, %ne3A_844 : vector<16xi32>
      %broadcast_in_dim3A_846 = arith.constant 1 : i32
      %broadcast_in_dim3A_847 = vector.broadcast %broadcast_in_dim3A_846 : i32 to vector<16xi32>
      %broadcast_in_dim3A_848 = arith.constant 0 : i32
      %broadcast_in_dim3A_849 = vector.broadcast %broadcast_in_dim3A_848 : i32 to vector<16xi32>
      %select_n3A_850 = arith.select %ne3A_845, %broadcast_in_dim3A_847, %broadcast_in_dim3A_849 : vector<16xi1>, vector<16xi32>
      tpu.vector_store_idx %arg11[%add3A_777, %gather3A_50], %select_n3A_850 : memref<16x512xi32, #tpu.memory_space<vmem>>[vector<16xi32>, vector<16xi32>], vector<16xi32>,
      %and3A_851 = arith.andi %gather3A_805, %gather3A_77 : vector<16xi32>
      %ne3A_852 = arith.constant 0 : i32
      %ne3A_853 = vector.broadcast %ne3A_852 : i32 to vector<16xi32>
      %ne3A_854 = arith.cmpi ne, %and3A_851, %ne3A_853 : vector<16xi32>
      %broadcast_in_dim3A_855 = arith.constant 1 : i32
      %broadcast_in_dim3A_856 = vector.broadcast %broadcast_in_dim3A_855 : i32 to vector<16xi32>
      %broadcast_in_dim3A_857 = arith.constant 0 : i32
      %broadcast_in_dim3A_858 = vector.broadcast %broadcast_in_dim3A_857 : i32 to vector<16xi32>
      %select_n3A_859 = arith.select %ne3A_854, %broadcast_in_dim3A_856, %broadcast_in_dim3A_858 : vector<16xi1>, vector<16xi32>
      tpu.vector_store_idx %arg11[%add3A_777, %gather3A_53], %select_n3A_859 : memref<16x512xi32, #tpu.memory_space<vmem>>[vector<16xi32>, vector<16xi32>], vector<16xi32>,
      %and3A_860 = arith.andi %gather3A_805, %gather3A_80 : vector<16xi32>
      %ne3A_861 = arith.constant 0 : i32
      %ne3A_862 = vector.broadcast %ne3A_861 : i32 to vector<16xi32>
      %ne3A_863 = arith.cmpi ne, %and3A_860, %ne3A_862 : vector<16xi32>
      %broadcast_in_dim3A_864 = arith.constant 1 : i32
      %broadcast_in_dim3A_865 = vector.broadcast %broadcast_in_dim3A_864 : i32 to vector<16xi32>
      %broadcast_in_dim3A_866 = arith.constant 0 : i32
      %broadcast_in_dim3A_867 = vector.broadcast %broadcast_in_dim3A_866 : i32 to vector<16xi32>
      %select_n3A_868 = arith.select %ne3A_863, %broadcast_in_dim3A_865, %broadcast_in_dim3A_867 : vector<16xi1>, vector<16xi32>
      tpu.vector_store_idx %arg11[%add3A_777, %gather3A_56], %select_n3A_868 : memref<16x512xi32, #tpu.memory_space<vmem>>[vector<16xi32>, vector<16xi32>], vector<16xi32>,
      %and3A_869 = arith.andi %gather3A_805, %gather3A_83 : vector<16xi32>
      %ne3A_870 = arith.constant 0 : i32
      %ne3A_871 = vector.broadcast %ne3A_870 : i32 to vector<16xi32>
      %ne3A_872 = arith.cmpi ne, %and3A_869, %ne3A_871 : vector<16xi32>
      %broadcast_in_dim3A_873 = arith.constant 1 : i32
      %broadcast_in_dim3A_874 = vector.broadcast %broadcast_in_dim3A_873 : i32 to vector<16xi32>
      %broadcast_in_dim3A_875 = arith.constant 0 : i32
      %broadcast_in_dim3A_876 = vector.broadcast %broadcast_in_dim3A_875 : i32 to vector<16xi32>
      %select_n3A_877 = arith.select %ne3A_872, %broadcast_in_dim3A_874, %broadcast_in_dim3A_876 : vector<16xi1>, vector<16xi32>
      tpu.vector_store_idx %arg11[%add3A_777, %gather3A_59], %select_n3A_877 : memref<16x512xi32, #tpu.memory_space<vmem>>[vector<16xi32>, vector<16xi32>], vector<16xi32>,
      %mul3A_878 = arith.constant 16 : i32
      %mul3A_879 = arith.muli %add3A_767, %mul3A_878 : i32
      %add3A_880 = arith.addi %mul3A_2, %mul3A_879 : i32
      %dma_start3A_881 = arith.constant 0 : i32
      %dma_start3A_882 = tpu.memref_slice %arg4[%add3A_880, %dma_start3A_881] : memref<65536x512xi32, #tpu.memory_space<hbm>> -> memref<16x512xi32, #tpu.memory_space<hbm>>
      %dma_start3A_883 = arith.constant 0 : i32
      %dma_start3A_884 = tpu.memref_slice %arg4[%add3A_880, %dma_start3A_883] : memref<65536x512xi32, #tpu.memory_space<hbm>> -> memref<16x512xi32, #tpu.memory_space<hbm>>
      tpu.enqueue_dma source(%arg11 : memref<16x512xi32, #tpu.memory_space<vmem>>) target(%dma_start3A_884 : memref<16x512xi32, #tpu.memory_space<hbm>>) target_semaphore(%arg27 : memref<!tpu.dma_semaphore, #tpu.memory_space<semaphore_mem>>)
      %add3A_885 = arith.constant 6 : i32
      %add3A_886 = arith.addi %add3A_767, %add3A_885 : i32
      %lt3A_887 = arith.constant 128 : i32
      %lt3A_888 = arith.cmpi slt, %add3A_886, %lt3A_887 : i32
      %convert_element_type3A_889 = arith.extui %lt3A_888 : i1 to i32
      %cond3A_890 = arith.constant 0 : i32
      %cond3A_891 = arith.cmpi ne, %convert_element_type3A_889, %cond3A_890 : i32
      scf.if %cond3A_891 {
        %ge3A = arith.constant 2 : i32
        %ge3A_1144 = arith.cmpi sge, %add3A_767, %ge3A : i32
        %convert_element_type3A_1145 = arith.extui %ge3A_1144 : i1 to i32
        %cond3A_1146 = arith.constant 0 : i32
        %cond3A_1147 = arith.cmpi ne, %convert_element_type3A_1145, %cond3A_1146 : i32
        scf.if %cond3A_1147 {
          %sub3A = arith.constant 2 : i32
          %sub3A_1157 = arith.subi %add3A_767, %sub3A : i32
          %mul3A_1158 = arith.constant 16 : i32
          %mul3A_1159 = arith.muli %sub3A_1157, %mul3A_1158 : i32
          %add3A_1160 = arith.addi %mul3A_2, %mul3A_1159 : i32
          %dma_wait3A_1161 = arith.constant 0 : i32
          %dma_wait3A_1162 = tpu.memref_slice %arg4[%add3A_1160, %dma_wait3A_1161] : memref<65536x512xi32, #tpu.memory_space<hbm>> -> memref<16x512xi32, #tpu.memory_space<hbm>>
          %dma_wait3A_1163 = arith.constant 0 : i32
          %dma_wait3A_1164 = tpu.memref_slice %arg4[%add3A_1160, %dma_wait3A_1163] : memref<65536x512xi32, #tpu.memory_space<hbm>> -> memref<16x512xi32, #tpu.memory_space<hbm>>
          tpu.wait_dma2 semaphore(%arg25 : memref<!tpu.dma_semaphore, #tpu.memory_space<semaphore_mem>>) src(%arg9 : memref<16x512xi32, #tpu.memory_space<vmem>>) dst(%dma_wait3A_1164 : memref<16x512xi32, #tpu.memory_space<hbm>>)
        } else {
        }
        %add3A_1148 = arith.constant 6 : i32
        %add3A_1149 = arith.addi %add3A_767, %add3A_1148 : i32
        %mul3A_1150 = arith.constant 16 : i32
        %mul3A_1151 = arith.muli %add3A_1149, %mul3A_1150 : i32
        %add3A_1152 = arith.addi %mul3A_2, %mul3A_1151 : i32
        %dma_start3A_1153 = arith.constant 0 : i32
        %dma_start3A_1154 = tpu.memref_slice %arg2[%add3A_1152, %dma_start3A_1153] : memref<65536x512xi32, #tpu.memory_space<hbm>> -> memref<16x512xi32, #tpu.memory_space<hbm>>
        %dma_start3A_1155 = arith.constant 0 : i32
        %dma_start3A_1156 = tpu.memref_slice %arg2[%add3A_1152, %dma_start3A_1155] : memref<65536x512xi32, #tpu.memory_space<hbm>> -> memref<16x512xi32, #tpu.memory_space<hbm>>
        tpu.enqueue_dma source(%dma_start3A_1156 : memref<16x512xi32, #tpu.memory_space<hbm>>) target(%arg9 : memref<16x512xi32, #tpu.memory_space<vmem>>) target_semaphore(%arg17 : memref<!tpu.dma_semaphore, #tpu.memory_space<semaphore_mem>>)
      } else {
      }
      %add3A_892 = arith.constant 6 : i32
      %add3A_893 = arith.addi %add3A_141, %add3A_892 : i32
      %mul3A_894 = arith.constant 16 : i32
      %mul3A_895 = arith.muli %add3A_893, %mul3A_894 : i32
      %add3A_896 = arith.addi %mul3A_2, %mul3A_895 : i32
      %dma_wait3A_897 = arith.constant 0 : i32
      %dma_wait3A_898 = tpu.memref_slice %arg2[%add3A_896, %dma_wait3A_897] : memref<65536x512xi32, #tpu.memory_space<hbm>> -> memref<16x512xi32, #tpu.memory_space<hbm>>
      %dma_wait3A_899 = arith.constant 0 : i32
      %dma_wait3A_900 = tpu.memref_slice %arg2[%add3A_896, %dma_wait3A_899] : memref<65536x512xi32, #tpu.memory_space<hbm>> -> memref<16x512xi32, #tpu.memory_space<hbm>>
      tpu.wait_dma2 semaphore(%arg20 : memref<!tpu.dma_semaphore, #tpu.memory_space<semaphore_mem>>) src(%dma_wait3A_900 : memref<16x512xi32, #tpu.memory_space<hbm>>) dst(%arg12 : memref<16x512xi32, #tpu.memory_space<vmem>>)
      %broadcast_in_dim3A_901 = arith.constant 0 : i32
      %broadcast_in_dim3A_902 = vector.broadcast %broadcast_in_dim3A_901 : i32 to vector<16xi32>
      %add3A_903 = arith.addi %broadcast_in_dim3A_902, %iota3A : vector<16xi32>
      %broadcast_in_dim3A_904 = arith.constant 0 : i32
      %broadcast_in_dim3A_905 = vector.broadcast %broadcast_in_dim3A_904 : i32 to vector<16xi32>
      %gather3A_906 = tpu.vector_load_idx %arg12[%add3A_903, %gather3A] : memref<16x512xi32, #tpu.memory_space<vmem>>[vector<16xi32>, vector<16xi32>], vector<16xi32>,
      %mul3A_907 = arith.muli %gather3A_906, %gather3A_62 : vector<16xi32>
      %add3A_908 = arith.addi %broadcast_in_dim3A_905, %mul3A_907 : vector<16xi32>
      %gather3A_909 = tpu.vector_load_idx %arg12[%add3A_903, %gather3A_41] : memref<16x512xi32, #tpu.memory_space<vmem>>[vector<16xi32>, vector<16xi32>], vector<16xi32>,
      %mul3A_910 = arith.muli %gather3A_909, %gather3A_65 : vector<16xi32>
      %add3A_911 = arith.addi %add3A_908, %mul3A_910 : vector<16xi32>
      %gather3A_912 = tpu.vector_load_idx %arg12[%add3A_903, %gather3A_44] : memref<16x512xi32, #tpu.memory_space<vmem>>[vector<16xi32>, vector<16xi32>], vector<16xi32>,
      %mul3A_913 = arith.muli %gather3A_912, %gather3A_68 : vector<16xi32>
      %add3A_914 = arith.addi %add3A_911, %mul3A_913 : vector<16xi32>
      %gather3A_915 = tpu.vector_load_idx %arg12[%add3A_903, %gather3A_47] : memref<16x512xi32, #tpu.memory_space<vmem>>[vector<16xi32>, vector<16xi32>], vector<16xi32>,
      %mul3A_916 = arith.muli %gather3A_915, %gather3A_71 : vector<16xi32>
      %add3A_917 = arith.addi %add3A_914, %mul3A_916 : vector<16xi32>
      %gather3A_918 = tpu.vector_load_idx %arg12[%add3A_903, %gather3A_50] : memref<16x512xi32, #tpu.memory_space<vmem>>[vector<16xi32>, vector<16xi32>], vector<16xi32>,
      %mul3A_919 = arith.muli %gather3A_918, %gather3A_74 : vector<16xi32>
      %add3A_920 = arith.addi %add3A_917, %mul3A_919 : vector<16xi32>
      %gather3A_921 = tpu.vector_load_idx %arg12[%add3A_903, %gather3A_53] : memref<16x512xi32, #tpu.memory_space<vmem>>[vector<16xi32>, vector<16xi32>], vector<16xi32>,
      %mul3A_922 = arith.muli %gather3A_921, %gather3A_77 : vector<16xi32>
      %add3A_923 = arith.addi %add3A_920, %mul3A_922 : vector<16xi32>
      %gather3A_924 = tpu.vector_load_idx %arg12[%add3A_903, %gather3A_56] : memref<16x512xi32, #tpu.memory_space<vmem>>[vector<16xi32>, vector<16xi32>], vector<16xi32>,
      %mul3A_925 = arith.muli %gather3A_924, %gather3A_80 : vector<16xi32>
      %add3A_926 = arith.addi %add3A_923, %mul3A_925 : vector<16xi32>
      %gather3A_927 = tpu.vector_load_idx %arg12[%add3A_903, %gather3A_59] : memref<16x512xi32, #tpu.memory_space<vmem>>[vector<16xi32>, vector<16xi32>], vector<16xi32>,
      %mul3A_928 = arith.muli %gather3A_927, %gather3A_83 : vector<16xi32>
      %add3A_929 = arith.addi %add3A_926, %mul3A_928 : vector<16xi32>
      %add3A_930 = arith.addi %broadcast_in_dim3A_85, %add3A_929 : vector<16xi32>
      %gather3A_931 = tpu.vector_load_idx %arg5[%add3A_930] : memref<304xi32, #tpu.memory_space<vmem>>[vector<16xi32>], vector<16xi32>,
      %and3A_932 = arith.andi %gather3A_931, %gather3A_62 : vector<16xi32>
      %ne3A_933 = arith.constant 0 : i32
      %ne3A_934 = vector.broadcast %ne3A_933 : i32 to vector<16xi32>
      %ne3A_935 = arith.cmpi ne, %and3A_932, %ne3A_934 : vector<16xi32>
      %broadcast_in_dim3A_936 = arith.constant 1 : i32
      %broadcast_in_dim3A_937 = vector.broadcast %broadcast_in_dim3A_936 : i32 to vector<16xi32>
      %broadcast_in_dim3A_938 = arith.constant 0 : i32
      %broadcast_in_dim3A_939 = vector.broadcast %broadcast_in_dim3A_938 : i32 to vector<16xi32>
      %select_n3A_940 = arith.select %ne3A_935, %broadcast_in_dim3A_937, %broadcast_in_dim3A_939 : vector<16xi1>, vector<16xi32>
      tpu.vector_store_idx %arg12[%add3A_903, %gather3A], %select_n3A_940 : memref<16x512xi32, #tpu.memory_space<vmem>>[vector<16xi32>, vector<16xi32>], vector<16xi32>,
      %and3A_941 = arith.andi %gather3A_931, %gather3A_65 : vector<16xi32>
      %ne3A_942 = arith.constant 0 : i32
      %ne3A_943 = vector.broadcast %ne3A_942 : i32 to vector<16xi32>
      %ne3A_944 = arith.cmpi ne, %and3A_941, %ne3A_943 : vector<16xi32>
      %broadcast_in_dim3A_945 = arith.constant 1 : i32
      %broadcast_in_dim3A_946 = vector.broadcast %broadcast_in_dim3A_945 : i32 to vector<16xi32>
      %broadcast_in_dim3A_947 = arith.constant 0 : i32
      %broadcast_in_dim3A_948 = vector.broadcast %broadcast_in_dim3A_947 : i32 to vector<16xi32>
      %select_n3A_949 = arith.select %ne3A_944, %broadcast_in_dim3A_946, %broadcast_in_dim3A_948 : vector<16xi1>, vector<16xi32>
      tpu.vector_store_idx %arg12[%add3A_903, %gather3A_41], %select_n3A_949 : memref<16x512xi32, #tpu.memory_space<vmem>>[vector<16xi32>, vector<16xi32>], vector<16xi32>,
      %and3A_950 = arith.andi %gather3A_931, %gather3A_68 : vector<16xi32>
      %ne3A_951 = arith.constant 0 : i32
      %ne3A_952 = vector.broadcast %ne3A_951 : i32 to vector<16xi32>
      %ne3A_953 = arith.cmpi ne, %and3A_950, %ne3A_952 : vector<16xi32>
      %broadcast_in_dim3A_954 = arith.constant 1 : i32
      %broadcast_in_dim3A_955 = vector.broadcast %broadcast_in_dim3A_954 : i32 to vector<16xi32>
      %broadcast_in_dim3A_956 = arith.constant 0 : i32
      %broadcast_in_dim3A_957 = vector.broadcast %broadcast_in_dim3A_956 : i32 to vector<16xi32>
      %select_n3A_958 = arith.select %ne3A_953, %broadcast_in_dim3A_955, %broadcast_in_dim3A_957 : vector<16xi1>, vector<16xi32>
      tpu.vector_store_idx %arg12[%add3A_903, %gather3A_44], %select_n3A_958 : memref<16x512xi32, #tpu.memory_space<vmem>>[vector<16xi32>, vector<16xi32>], vector<16xi32>,
      %and3A_959 = arith.andi %gather3A_931, %gather3A_71 : vector<16xi32>
      %ne3A_960 = arith.constant 0 : i32
      %ne3A_961 = vector.broadcast %ne3A_960 : i32 to vector<16xi32>
      %ne3A_962 = arith.cmpi ne, %and3A_959, %ne3A_961 : vector<16xi32>
      %broadcast_in_dim3A_963 = arith.constant 1 : i32
      %broadcast_in_dim3A_964 = vector.broadcast %broadcast_in_dim3A_963 : i32 to vector<16xi32>
      %broadcast_in_dim3A_965 = arith.constant 0 : i32
      %broadcast_in_dim3A_966 = vector.broadcast %broadcast_in_dim3A_965 : i32 to vector<16xi32>
      %select_n3A_967 = arith.select %ne3A_962, %broadcast_in_dim3A_964, %broadcast_in_dim3A_966 : vector<16xi1>, vector<16xi32>
      tpu.vector_store_idx %arg12[%add3A_903, %gather3A_47], %select_n3A_967 : memref<16x512xi32, #tpu.memory_space<vmem>>[vector<16xi32>, vector<16xi32>], vector<16xi32>,
      %and3A_968 = arith.andi %gather3A_931, %gather3A_74 : vector<16xi32>
      %ne3A_969 = arith.constant 0 : i32
      %ne3A_970 = vector.broadcast %ne3A_969 : i32 to vector<16xi32>
      %ne3A_971 = arith.cmpi ne, %and3A_968, %ne3A_970 : vector<16xi32>
      %broadcast_in_dim3A_972 = arith.constant 1 : i32
      %broadcast_in_dim3A_973 = vector.broadcast %broadcast_in_dim3A_972 : i32 to vector<16xi32>
      %broadcast_in_dim3A_974 = arith.constant 0 : i32
      %broadcast_in_dim3A_975 = vector.broadcast %broadcast_in_dim3A_974 : i32 to vector<16xi32>
      %select_n3A_976 = arith.select %ne3A_971, %broadcast_in_dim3A_973, %broadcast_in_dim3A_975 : vector<16xi1>, vector<16xi32>
      tpu.vector_store_idx %arg12[%add3A_903, %gather3A_50], %select_n3A_976 : memref<16x512xi32, #tpu.memory_space<vmem>>[vector<16xi32>, vector<16xi32>], vector<16xi32>,
      %and3A_977 = arith.andi %gather3A_931, %gather3A_77 : vector<16xi32>
      %ne3A_978 = arith.constant 0 : i32
      %ne3A_979 = vector.broadcast %ne3A_978 : i32 to vector<16xi32>
      %ne3A_980 = arith.cmpi ne, %and3A_977, %ne3A_979 : vector<16xi32>
      %broadcast_in_dim3A_981 = arith.constant 1 : i32
      %broadcast_in_dim3A_982 = vector.broadcast %broadcast_in_dim3A_981 : i32 to vector<16xi32>
      %broadcast_in_dim3A_983 = arith.constant 0 : i32
      %broadcast_in_dim3A_984 = vector.broadcast %broadcast_in_dim3A_983 : i32 to vector<16xi32>
      %select_n3A_985 = arith.select %ne3A_980, %broadcast_in_dim3A_982, %broadcast_in_dim3A_984 : vector<16xi1>, vector<16xi32>
      tpu.vector_store_idx %arg12[%add3A_903, %gather3A_53], %select_n3A_985 : memref<16x512xi32, #tpu.memory_space<vmem>>[vector<16xi32>, vector<16xi32>], vector<16xi32>,
      %and3A_986 = arith.andi %gather3A_931, %gather3A_80 : vector<16xi32>
      %ne3A_987 = arith.constant 0 : i32
      %ne3A_988 = vector.broadcast %ne3A_987 : i32 to vector<16xi32>
      %ne3A_989 = arith.cmpi ne, %and3A_986, %ne3A_988 : vector<16xi32>
      %broadcast_in_dim3A_990 = arith.constant 1 : i32
      %broadcast_in_dim3A_991 = vector.broadcast %broadcast_in_dim3A_990 : i32 to vector<16xi32>
      %broadcast_in_dim3A_992 = arith.constant 0 : i32
      %broadcast_in_dim3A_993 = vector.broadcast %broadcast_in_dim3A_992 : i32 to vector<16xi32>
      %select_n3A_994 = arith.select %ne3A_989, %broadcast_in_dim3A_991, %broadcast_in_dim3A_993 : vector<16xi1>, vector<16xi32>
      tpu.vector_store_idx %arg12[%add3A_903, %gather3A_56], %select_n3A_994 : memref<16x512xi32, #tpu.memory_space<vmem>>[vector<16xi32>, vector<16xi32>], vector<16xi32>,
      %and3A_995 = arith.andi %gather3A_931, %gather3A_83 : vector<16xi32>
      %ne3A_996 = arith.constant 0 : i32
      %ne3A_997 = vector.broadcast %ne3A_996 : i32 to vector<16xi32>
      %ne3A_998 = arith.cmpi ne, %and3A_995, %ne3A_997 : vector<16xi32>
      %broadcast_in_dim3A_999 = arith.constant 1 : i32
      %broadcast_in_dim3A_1000 = vector.broadcast %broadcast_in_dim3A_999 : i32 to vector<16xi32>
      %broadcast_in_dim3A_1001 = arith.constant 0 : i32
      %broadcast_in_dim3A_1002 = vector.broadcast %broadcast_in_dim3A_1001 : i32 to vector<16xi32>
      %select_n3A_1003 = arith.select %ne3A_998, %broadcast_in_dim3A_1000, %broadcast_in_dim3A_1002 : vector<16xi1>, vector<16xi32>
      tpu.vector_store_idx %arg12[%add3A_903, %gather3A_59], %select_n3A_1003 : memref<16x512xi32, #tpu.memory_space<vmem>>[vector<16xi32>, vector<16xi32>], vector<16xi32>,
      %mul3A_1004 = arith.constant 16 : i32
      %mul3A_1005 = arith.muli %add3A_893, %mul3A_1004 : i32
      %add3A_1006 = arith.addi %mul3A_2, %mul3A_1005 : i32
      %dma_start3A_1007 = arith.constant 0 : i32
      %dma_start3A_1008 = tpu.memref_slice %arg4[%add3A_1006, %dma_start3A_1007] : memref<65536x512xi32, #tpu.memory_space<hbm>> -> memref<16x512xi32, #tpu.memory_space<hbm>>
      %dma_start3A_1009 = arith.constant 0 : i32
      %dma_start3A_1010 = tpu.memref_slice %arg4[%add3A_1006, %dma_start3A_1009] : memref<65536x512xi32, #tpu.memory_space<hbm>> -> memref<16x512xi32, #tpu.memory_space<hbm>>
      tpu.enqueue_dma source(%arg12 : memref<16x512xi32, #tpu.memory_space<vmem>>) target(%dma_start3A_1010 : memref<16x512xi32, #tpu.memory_space<hbm>>) target_semaphore(%arg28 : memref<!tpu.dma_semaphore, #tpu.memory_space<semaphore_mem>>)
      %add3A_1011 = arith.constant 6 : i32
      %add3A_1012 = arith.addi %add3A_893, %add3A_1011 : i32
      %lt3A_1013 = arith.constant 128 : i32
      %lt3A_1014 = arith.cmpi slt, %add3A_1012, %lt3A_1013 : i32
      %convert_element_type3A_1015 = arith.extui %lt3A_1014 : i1 to i32
      %cond3A_1016 = arith.constant 0 : i32
      %cond3A_1017 = arith.cmpi ne, %convert_element_type3A_1015, %cond3A_1016 : i32
      scf.if %cond3A_1017 {
        %ge3A = arith.constant 2 : i32
        %ge3A_1144 = arith.cmpi sge, %add3A_893, %ge3A : i32
        %convert_element_type3A_1145 = arith.extui %ge3A_1144 : i1 to i32
        %cond3A_1146 = arith.constant 0 : i32
        %cond3A_1147 = arith.cmpi ne, %convert_element_type3A_1145, %cond3A_1146 : i32
        scf.if %cond3A_1147 {
          %sub3A = arith.constant 2 : i32
          %sub3A_1157 = arith.subi %add3A_893, %sub3A : i32
          %mul3A_1158 = arith.constant 16 : i32
          %mul3A_1159 = arith.muli %sub3A_1157, %mul3A_1158 : i32
          %add3A_1160 = arith.addi %mul3A_2, %mul3A_1159 : i32
          %dma_wait3A_1161 = arith.constant 0 : i32
          %dma_wait3A_1162 = tpu.memref_slice %arg4[%add3A_1160, %dma_wait3A_1161] : memref<65536x512xi32, #tpu.memory_space<hbm>> -> memref<16x512xi32, #tpu.memory_space<hbm>>
          %dma_wait3A_1163 = arith.constant 0 : i32
          %dma_wait3A_1164 = tpu.memref_slice %arg4[%add3A_1160, %dma_wait3A_1163] : memref<65536x512xi32, #tpu.memory_space<hbm>> -> memref<16x512xi32, #tpu.memory_space<hbm>>
          tpu.wait_dma2 semaphore(%arg26 : memref<!tpu.dma_semaphore, #tpu.memory_space<semaphore_mem>>) src(%arg10 : memref<16x512xi32, #tpu.memory_space<vmem>>) dst(%dma_wait3A_1164 : memref<16x512xi32, #tpu.memory_space<hbm>>)
        } else {
        }
        %add3A_1148 = arith.constant 6 : i32
        %add3A_1149 = arith.addi %add3A_893, %add3A_1148 : i32
        %mul3A_1150 = arith.constant 16 : i32
        %mul3A_1151 = arith.muli %add3A_1149, %mul3A_1150 : i32
        %add3A_1152 = arith.addi %mul3A_2, %mul3A_1151 : i32
        %dma_start3A_1153 = arith.constant 0 : i32
        %dma_start3A_1154 = tpu.memref_slice %arg2[%add3A_1152, %dma_start3A_1153] : memref<65536x512xi32, #tpu.memory_space<hbm>> -> memref<16x512xi32, #tpu.memory_space<hbm>>
        %dma_start3A_1155 = arith.constant 0 : i32
        %dma_start3A_1156 = tpu.memref_slice %arg2[%add3A_1152, %dma_start3A_1155] : memref<65536x512xi32, #tpu.memory_space<hbm>> -> memref<16x512xi32, #tpu.memory_space<hbm>>
        tpu.enqueue_dma source(%dma_start3A_1156 : memref<16x512xi32, #tpu.memory_space<hbm>>) target(%arg10 : memref<16x512xi32, #tpu.memory_space<vmem>>) target_semaphore(%arg18 : memref<!tpu.dma_semaphore, #tpu.memory_space<semaphore_mem>>)
      } else {
      }
      %add3A_1018 = arith.constant 7 : i32
      %add3A_1019 = arith.addi %add3A_141, %add3A_1018 : i32
      %mul3A_1020 = arith.constant 16 : i32
      %mul3A_1021 = arith.muli %add3A_1019, %mul3A_1020 : i32
      %add3A_1022 = arith.addi %mul3A_2, %mul3A_1021 : i32
      %dma_wait3A_1023 = arith.constant 0 : i32
      %dma_wait3A_1024 = tpu.memref_slice %arg2[%add3A_1022, %dma_wait3A_1023] : memref<65536x512xi32, #tpu.memory_space<hbm>> -> memref<16x512xi32, #tpu.memory_space<hbm>>
      %dma_wait3A_1025 = arith.constant 0 : i32
      %dma_wait3A_1026 = tpu.memref_slice %arg2[%add3A_1022, %dma_wait3A_1025] : memref<65536x512xi32, #tpu.memory_space<hbm>> -> memref<16x512xi32, #tpu.memory_space<hbm>>
      tpu.wait_dma2 semaphore(%arg21 : memref<!tpu.dma_semaphore, #tpu.memory_space<semaphore_mem>>) src(%dma_wait3A_1026 : memref<16x512xi32, #tpu.memory_space<hbm>>) dst(%arg13 : memref<16x512xi32, #tpu.memory_space<vmem>>)
      %broadcast_in_dim3A_1027 = arith.constant 0 : i32
      %broadcast_in_dim3A_1028 = vector.broadcast %broadcast_in_dim3A_1027 : i32 to vector<16xi32>
      %add3A_1029 = arith.addi %broadcast_in_dim3A_1028, %iota3A : vector<16xi32>
      %broadcast_in_dim3A_1030 = arith.constant 0 : i32
      %broadcast_in_dim3A_1031 = vector.broadcast %broadcast_in_dim3A_1030 : i32 to vector<16xi32>
      %gather3A_1032 = tpu.vector_load_idx %arg13[%add3A_1029, %gather3A] : memref<16x512xi32, #tpu.memory_space<vmem>>[vector<16xi32>, vector<16xi32>], vector<16xi32>,
      %mul3A_1033 = arith.muli %gather3A_1032, %gather3A_62 : vector<16xi32>
      %add3A_1034 = arith.addi %broadcast_in_dim3A_1031, %mul3A_1033 : vector<16xi32>
      %gather3A_1035 = tpu.vector_load_idx %arg13[%add3A_1029, %gather3A_41] : memref<16x512xi32, #tpu.memory_space<vmem>>[vector<16xi32>, vector<16xi32>], vector<16xi32>,
      %mul3A_1036 = arith.muli %gather3A_1035, %gather3A_65 : vector<16xi32>
      %add3A_1037 = arith.addi %add3A_1034, %mul3A_1036 : vector<16xi32>
      %gather3A_1038 = tpu.vector_load_idx %arg13[%add3A_1029, %gather3A_44] : memref<16x512xi32, #tpu.memory_space<vmem>>[vector<16xi32>, vector<16xi32>], vector<16xi32>,
      %mul3A_1039 = arith.muli %gather3A_1038, %gather3A_68 : vector<16xi32>
      %add3A_1040 = arith.addi %add3A_1037, %mul3A_1039 : vector<16xi32>
      %gather3A_1041 = tpu.vector_load_idx %arg13[%add3A_1029, %gather3A_47] : memref<16x512xi32, #tpu.memory_space<vmem>>[vector<16xi32>, vector<16xi32>], vector<16xi32>,
      %mul3A_1042 = arith.muli %gather3A_1041, %gather3A_71 : vector<16xi32>
      %add3A_1043 = arith.addi %add3A_1040, %mul3A_1042 : vector<16xi32>
      %gather3A_1044 = tpu.vector_load_idx %arg13[%add3A_1029, %gather3A_50] : memref<16x512xi32, #tpu.memory_space<vmem>>[vector<16xi32>, vector<16xi32>], vector<16xi32>,
      %mul3A_1045 = arith.muli %gather3A_1044, %gather3A_74 : vector<16xi32>
      %add3A_1046 = arith.addi %add3A_1043, %mul3A_1045 : vector<16xi32>
      %gather3A_1047 = tpu.vector_load_idx %arg13[%add3A_1029, %gather3A_53] : memref<16x512xi32, #tpu.memory_space<vmem>>[vector<16xi32>, vector<16xi32>], vector<16xi32>,
      %mul3A_1048 = arith.muli %gather3A_1047, %gather3A_77 : vector<16xi32>
      %add3A_1049 = arith.addi %add3A_1046, %mul3A_1048 : vector<16xi32>
      %gather3A_1050 = tpu.vector_load_idx %arg13[%add3A_1029, %gather3A_56] : memref<16x512xi32, #tpu.memory_space<vmem>>[vector<16xi32>, vector<16xi32>], vector<16xi32>,
      %mul3A_1051 = arith.muli %gather3A_1050, %gather3A_80 : vector<16xi32>
      %add3A_1052 = arith.addi %add3A_1049, %mul3A_1051 : vector<16xi32>
      %gather3A_1053 = tpu.vector_load_idx %arg13[%add3A_1029, %gather3A_59] : memref<16x512xi32, #tpu.memory_space<vmem>>[vector<16xi32>, vector<16xi32>], vector<16xi32>,
      %mul3A_1054 = arith.muli %gather3A_1053, %gather3A_83 : vector<16xi32>
      %add3A_1055 = arith.addi %add3A_1052, %mul3A_1054 : vector<16xi32>
      %add3A_1056 = arith.addi %broadcast_in_dim3A_85, %add3A_1055 : vector<16xi32>
      %gather3A_1057 = tpu.vector_load_idx %arg5[%add3A_1056] : memref<304xi32, #tpu.memory_space<vmem>>[vector<16xi32>], vector<16xi32>,
      %and3A_1058 = arith.andi %gather3A_1057, %gather3A_62 : vector<16xi32>
      %ne3A_1059 = arith.constant 0 : i32
      %ne3A_1060 = vector.broadcast %ne3A_1059 : i32 to vector<16xi32>
      %ne3A_1061 = arith.cmpi ne, %and3A_1058, %ne3A_1060 : vector<16xi32>
      %broadcast_in_dim3A_1062 = arith.constant 1 : i32
      %broadcast_in_dim3A_1063 = vector.broadcast %broadcast_in_dim3A_1062 : i32 to vector<16xi32>
      %broadcast_in_dim3A_1064 = arith.constant 0 : i32
      %broadcast_in_dim3A_1065 = vector.broadcast %broadcast_in_dim3A_1064 : i32 to vector<16xi32>
      %select_n3A_1066 = arith.select %ne3A_1061, %broadcast_in_dim3A_1063, %broadcast_in_dim3A_1065 : vector<16xi1>, vector<16xi32>
      tpu.vector_store_idx %arg13[%add3A_1029, %gather3A], %select_n3A_1066 : memref<16x512xi32, #tpu.memory_space<vmem>>[vector<16xi32>, vector<16xi32>], vector<16xi32>,
      %and3A_1067 = arith.andi %gather3A_1057, %gather3A_65 : vector<16xi32>
      %ne3A_1068 = arith.constant 0 : i32
      %ne3A_1069 = vector.broadcast %ne3A_1068 : i32 to vector<16xi32>
      %ne3A_1070 = arith.cmpi ne, %and3A_1067, %ne3A_1069 : vector<16xi32>
      %broadcast_in_dim3A_1071 = arith.constant 1 : i32
      %broadcast_in_dim3A_1072 = vector.broadcast %broadcast_in_dim3A_1071 : i32 to vector<16xi32>
      %broadcast_in_dim3A_1073 = arith.constant 0 : i32
      %broadcast_in_dim3A_1074 = vector.broadcast %broadcast_in_dim3A_1073 : i32 to vector<16xi32>
      %select_n3A_1075 = arith.select %ne3A_1070, %broadcast_in_dim3A_1072, %broadcast_in_dim3A_1074 : vector<16xi1>, vector<16xi32>
      tpu.vector_store_idx %arg13[%add3A_1029, %gather3A_41], %select_n3A_1075 : memref<16x512xi32, #tpu.memory_space<vmem>>[vector<16xi32>, vector<16xi32>], vector<16xi32>,
      %and3A_1076 = arith.andi %gather3A_1057, %gather3A_68 : vector<16xi32>
      %ne3A_1077 = arith.constant 0 : i32
      %ne3A_1078 = vector.broadcast %ne3A_1077 : i32 to vector<16xi32>
      %ne3A_1079 = arith.cmpi ne, %and3A_1076, %ne3A_1078 : vector<16xi32>
      %broadcast_in_dim3A_1080 = arith.constant 1 : i32
      %broadcast_in_dim3A_1081 = vector.broadcast %broadcast_in_dim3A_1080 : i32 to vector<16xi32>
      %broadcast_in_dim3A_1082 = arith.constant 0 : i32
      %broadcast_in_dim3A_1083 = vector.broadcast %broadcast_in_dim3A_1082 : i32 to vector<16xi32>
      %select_n3A_1084 = arith.select %ne3A_1079, %broadcast_in_dim3A_1081, %broadcast_in_dim3A_1083 : vector<16xi1>, vector<16xi32>
      tpu.vector_store_idx %arg13[%add3A_1029, %gather3A_44], %select_n3A_1084 : memref<16x512xi32, #tpu.memory_space<vmem>>[vector<16xi32>, vector<16xi32>], vector<16xi32>,
      %and3A_1085 = arith.andi %gather3A_1057, %gather3A_71 : vector<16xi32>
      %ne3A_1086 = arith.constant 0 : i32
      %ne3A_1087 = vector.broadcast %ne3A_1086 : i32 to vector<16xi32>
      %ne3A_1088 = arith.cmpi ne, %and3A_1085, %ne3A_1087 : vector<16xi32>
      %broadcast_in_dim3A_1089 = arith.constant 1 : i32
      %broadcast_in_dim3A_1090 = vector.broadcast %broadcast_in_dim3A_1089 : i32 to vector<16xi32>
      %broadcast_in_dim3A_1091 = arith.constant 0 : i32
      %broadcast_in_dim3A_1092 = vector.broadcast %broadcast_in_dim3A_1091 : i32 to vector<16xi32>
      %select_n3A_1093 = arith.select %ne3A_1088, %broadcast_in_dim3A_1090, %broadcast_in_dim3A_1092 : vector<16xi1>, vector<16xi32>
      tpu.vector_store_idx %arg13[%add3A_1029, %gather3A_47], %select_n3A_1093 : memref<16x512xi32, #tpu.memory_space<vmem>>[vector<16xi32>, vector<16xi32>], vector<16xi32>,
      %and3A_1094 = arith.andi %gather3A_1057, %gather3A_74 : vector<16xi32>
      %ne3A_1095 = arith.constant 0 : i32
      %ne3A_1096 = vector.broadcast %ne3A_1095 : i32 to vector<16xi32>
      %ne3A_1097 = arith.cmpi ne, %and3A_1094, %ne3A_1096 : vector<16xi32>
      %broadcast_in_dim3A_1098 = arith.constant 1 : i32
      %broadcast_in_dim3A_1099 = vector.broadcast %broadcast_in_dim3A_1098 : i32 to vector<16xi32>
      %broadcast_in_dim3A_1100 = arith.constant 0 : i32
      %broadcast_in_dim3A_1101 = vector.broadcast %broadcast_in_dim3A_1100 : i32 to vector<16xi32>
      %select_n3A_1102 = arith.select %ne3A_1097, %broadcast_in_dim3A_1099, %broadcast_in_dim3A_1101 : vector<16xi1>, vector<16xi32>
      tpu.vector_store_idx %arg13[%add3A_1029, %gather3A_50], %select_n3A_1102 : memref<16x512xi32, #tpu.memory_space<vmem>>[vector<16xi32>, vector<16xi32>], vector<16xi32>,
      %and3A_1103 = arith.andi %gather3A_1057, %gather3A_77 : vector<16xi32>
      %ne3A_1104 = arith.constant 0 : i32
      %ne3A_1105 = vector.broadcast %ne3A_1104 : i32 to vector<16xi32>
      %ne3A_1106 = arith.cmpi ne, %and3A_1103, %ne3A_1105 : vector<16xi32>
      %broadcast_in_dim3A_1107 = arith.constant 1 : i32
      %broadcast_in_dim3A_1108 = vector.broadcast %broadcast_in_dim3A_1107 : i32 to vector<16xi32>
      %broadcast_in_dim3A_1109 = arith.constant 0 : i32
      %broadcast_in_dim3A_1110 = vector.broadcast %broadcast_in_dim3A_1109 : i32 to vector<16xi32>
      %select_n3A_1111 = arith.select %ne3A_1106, %broadcast_in_dim3A_1108, %broadcast_in_dim3A_1110 : vector<16xi1>, vector<16xi32>
      tpu.vector_store_idx %arg13[%add3A_1029, %gather3A_53], %select_n3A_1111 : memref<16x512xi32, #tpu.memory_space<vmem>>[vector<16xi32>, vector<16xi32>], vector<16xi32>,
      %and3A_1112 = arith.andi %gather3A_1057, %gather3A_80 : vector<16xi32>
      %ne3A_1113 = arith.constant 0 : i32
      %ne3A_1114 = vector.broadcast %ne3A_1113 : i32 to vector<16xi32>
      %ne3A_1115 = arith.cmpi ne, %and3A_1112, %ne3A_1114 : vector<16xi32>
      %broadcast_in_dim3A_1116 = arith.constant 1 : i32
      %broadcast_in_dim3A_1117 = vector.broadcast %broadcast_in_dim3A_1116 : i32 to vector<16xi32>
      %broadcast_in_dim3A_1118 = arith.constant 0 : i32
      %broadcast_in_dim3A_1119 = vector.broadcast %broadcast_in_dim3A_1118 : i32 to vector<16xi32>
      %select_n3A_1120 = arith.select %ne3A_1115, %broadcast_in_dim3A_1117, %broadcast_in_dim3A_1119 : vector<16xi1>, vector<16xi32>
      tpu.vector_store_idx %arg13[%add3A_1029, %gather3A_56], %select_n3A_1120 : memref<16x512xi32, #tpu.memory_space<vmem>>[vector<16xi32>, vector<16xi32>], vector<16xi32>,
      %and3A_1121 = arith.andi %gather3A_1057, %gather3A_83 : vector<16xi32>
      %ne3A_1122 = arith.constant 0 : i32
      %ne3A_1123 = vector.broadcast %ne3A_1122 : i32 to vector<16xi32>
      %ne3A_1124 = arith.cmpi ne, %and3A_1121, %ne3A_1123 : vector<16xi32>
      %broadcast_in_dim3A_1125 = arith.constant 1 : i32
      %broadcast_in_dim3A_1126 = vector.broadcast %broadcast_in_dim3A_1125 : i32 to vector<16xi32>
      %broadcast_in_dim3A_1127 = arith.constant 0 : i32
      %broadcast_in_dim3A_1128 = vector.broadcast %broadcast_in_dim3A_1127 : i32 to vector<16xi32>
      %select_n3A_1129 = arith.select %ne3A_1124, %broadcast_in_dim3A_1126, %broadcast_in_dim3A_1128 : vector<16xi1>, vector<16xi32>
      tpu.vector_store_idx %arg13[%add3A_1029, %gather3A_59], %select_n3A_1129 : memref<16x512xi32, #tpu.memory_space<vmem>>[vector<16xi32>, vector<16xi32>], vector<16xi32>,
      %mul3A_1130 = arith.constant 16 : i32
      %mul3A_1131 = arith.muli %add3A_1019, %mul3A_1130 : i32
      %add3A_1132 = arith.addi %mul3A_2, %mul3A_1131 : i32
      %dma_start3A_1133 = arith.constant 0 : i32
      %dma_start3A_1134 = tpu.memref_slice %arg4[%add3A_1132, %dma_start3A_1133] : memref<65536x512xi32, #tpu.memory_space<hbm>> -> memref<16x512xi32, #tpu.memory_space<hbm>>
      %dma_start3A_1135 = arith.constant 0 : i32
      %dma_start3A_1136 = tpu.memref_slice %arg4[%add3A_1132, %dma_start3A_1135] : memref<65536x512xi32, #tpu.memory_space<hbm>> -> memref<16x512xi32, #tpu.memory_space<hbm>>
      tpu.enqueue_dma source(%arg13 : memref<16x512xi32, #tpu.memory_space<vmem>>) target(%dma_start3A_1136 : memref<16x512xi32, #tpu.memory_space<hbm>>) target_semaphore(%arg29 : memref<!tpu.dma_semaphore, #tpu.memory_space<semaphore_mem>>)
      %add3A_1137 = arith.constant 6 : i32
      %add3A_1138 = arith.addi %add3A_1019, %add3A_1137 : i32
      %lt3A_1139 = arith.constant 128 : i32
      %lt3A_1140 = arith.cmpi slt, %add3A_1138, %lt3A_1139 : i32
      %convert_element_type3A_1141 = arith.extui %lt3A_1140 : i1 to i32
      %cond3A_1142 = arith.constant 0 : i32
      %cond3A_1143 = arith.cmpi ne, %convert_element_type3A_1141, %cond3A_1142 : i32
      scf.if %cond3A_1143 {
        %ge3A = arith.constant 2 : i32
        %ge3A_1144 = arith.cmpi sge, %add3A_1019, %ge3A : i32
        %convert_element_type3A_1145 = arith.extui %ge3A_1144 : i1 to i32
        %cond3A_1146 = arith.constant 0 : i32
        %cond3A_1147 = arith.cmpi ne, %convert_element_type3A_1145, %cond3A_1146 : i32
        scf.if %cond3A_1147 {
          %sub3A = arith.constant 2 : i32
          %sub3A_1157 = arith.subi %add3A_1019, %sub3A : i32
          %mul3A_1158 = arith.constant 16 : i32
          %mul3A_1159 = arith.muli %sub3A_1157, %mul3A_1158 : i32
          %add3A_1160 = arith.addi %mul3A_2, %mul3A_1159 : i32
          %dma_wait3A_1161 = arith.constant 0 : i32
          %dma_wait3A_1162 = tpu.memref_slice %arg4[%add3A_1160, %dma_wait3A_1161] : memref<65536x512xi32, #tpu.memory_space<hbm>> -> memref<16x512xi32, #tpu.memory_space<hbm>>
          %dma_wait3A_1163 = arith.constant 0 : i32
          %dma_wait3A_1164 = tpu.memref_slice %arg4[%add3A_1160, %dma_wait3A_1163] : memref<65536x512xi32, #tpu.memory_space<hbm>> -> memref<16x512xi32, #tpu.memory_space<hbm>>
          tpu.wait_dma2 semaphore(%arg27 : memref<!tpu.dma_semaphore, #tpu.memory_space<semaphore_mem>>) src(%arg11 : memref<16x512xi32, #tpu.memory_space<vmem>>) dst(%dma_wait3A_1164 : memref<16x512xi32, #tpu.memory_space<hbm>>)
        } else {
        }
        %add3A_1148 = arith.constant 6 : i32
        %add3A_1149 = arith.addi %add3A_1019, %add3A_1148 : i32
        %mul3A_1150 = arith.constant 16 : i32
        %mul3A_1151 = arith.muli %add3A_1149, %mul3A_1150 : i32
        %add3A_1152 = arith.addi %mul3A_2, %mul3A_1151 : i32
        %dma_start3A_1153 = arith.constant 0 : i32
        %dma_start3A_1154 = tpu.memref_slice %arg2[%add3A_1152, %dma_start3A_1153] : memref<65536x512xi32, #tpu.memory_space<hbm>> -> memref<16x512xi32, #tpu.memory_space<hbm>>
        %dma_start3A_1155 = arith.constant 0 : i32
        %dma_start3A_1156 = tpu.memref_slice %arg2[%add3A_1152, %dma_start3A_1155] : memref<65536x512xi32, #tpu.memory_space<hbm>> -> memref<16x512xi32, #tpu.memory_space<hbm>>
        tpu.enqueue_dma source(%dma_start3A_1156 : memref<16x512xi32, #tpu.memory_space<hbm>>) target(%arg11 : memref<16x512xi32, #tpu.memory_space<vmem>>) target_semaphore(%arg19 : memref<!tpu.dma_semaphore, #tpu.memory_space<semaphore_mem>>)
      } else {
      }
    }
    %scan3A_89 = arith.constant 16 : i32
    %add3A_90 = arith.constant 1920 : i32
    %add3A_91 = arith.addi %mul3A_2, %add3A_90 : i32
    %dma_wait3A = arith.constant 0 : i32
    %dma_wait3A_92 = tpu.memref_slice %arg4[%add3A_91, %dma_wait3A] : memref<65536x512xi32, #tpu.memory_space<hbm>> -> memref<16x512xi32, #tpu.memory_space<hbm>>
    %dma_wait3A_93 = arith.constant 0 : i32
    %dma_wait3A_94 = tpu.memref_slice %arg4[%add3A_91, %dma_wait3A_93] : memref<65536x512xi32, #tpu.memory_space<hbm>> -> memref<16x512xi32, #tpu.memory_space<hbm>>
    tpu.wait_dma2 semaphore(%arg22 : memref<!tpu.dma_semaphore, #tpu.memory_space<semaphore_mem>>) src(%arg6 : memref<16x512xi32, #tpu.memory_space<vmem>>) dst(%dma_wait3A_94 : memref<16x512xi32, #tpu.memory_space<hbm>>)
    %add3A_95 = arith.constant 1936 : i32
    %add3A_96 = arith.addi %mul3A_2, %add3A_95 : i32
    %dma_wait3A_97 = arith.constant 0 : i32
    %dma_wait3A_98 = tpu.memref_slice %arg4[%add3A_96, %dma_wait3A_97] : memref<65536x512xi32, #tpu.memory_space<hbm>> -> memref<16x512xi32, #tpu.memory_space<hbm>>
    %dma_wait3A_99 = arith.constant 0 : i32
    %dma_wait3A_100 = tpu.memref_slice %arg4[%add3A_96, %dma_wait3A_99] : memref<65536x512xi32, #tpu.memory_space<hbm>> -> memref<16x512xi32, #tpu.memory_space<hbm>>
    tpu.wait_dma2 semaphore(%arg23 : memref<!tpu.dma_semaphore, #tpu.memory_space<semaphore_mem>>) src(%arg7 : memref<16x512xi32, #tpu.memory_space<vmem>>) dst(%dma_wait3A_100 : memref<16x512xi32, #tpu.memory_space<hbm>>)
    %add3A_101 = arith.constant 1952 : i32
    %add3A_102 = arith.addi %mul3A_2, %add3A_101 : i32
    %dma_wait3A_103 = arith.constant 0 : i32
    %dma_wait3A_104 = tpu.memref_slice %arg4[%add3A_102, %dma_wait3A_103] : memref<65536x512xi32, #tpu.memory_space<hbm>> -> memref<16x512xi32, #tpu.memory_space<hbm>>
    %dma_wait3A_105 = arith.constant 0 : i32
    %dma_wait3A_106 = tpu.memref_slice %arg4[%add3A_102, %dma_wait3A_105] : memref<65536x512xi32, #tpu.memory_space<hbm>> -> memref<16x512xi32, #tpu.memory_space<hbm>>
    tpu.wait_dma2 semaphore(%arg24 : memref<!tpu.dma_semaphore, #tpu.memory_space<semaphore_mem>>) src(%arg8 : memref<16x512xi32, #tpu.memory_space<vmem>>) dst(%dma_wait3A_106 : memref<16x512xi32, #tpu.memory_space<hbm>>)
    %add3A_107 = arith.constant 1968 : i32
    %add3A_108 = arith.addi %mul3A_2, %add3A_107 : i32
    %dma_wait3A_109 = arith.constant 0 : i32
    %dma_wait3A_110 = tpu.memref_slice %arg4[%add3A_108, %dma_wait3A_109] : memref<65536x512xi32, #tpu.memory_space<hbm>> -> memref<16x512xi32, #tpu.memory_space<hbm>>
    %dma_wait3A_111 = arith.constant 0 : i32
    %dma_wait3A_112 = tpu.memref_slice %arg4[%add3A_108, %dma_wait3A_111] : memref<65536x512xi32, #tpu.memory_space<hbm>> -> memref<16x512xi32, #tpu.memory_space<hbm>>
    tpu.wait_dma2 semaphore(%arg25 : memref<!tpu.dma_semaphore, #tpu.memory_space<semaphore_mem>>) src(%arg9 : memref<16x512xi32, #tpu.memory_space<vmem>>) dst(%dma_wait3A_112 : memref<16x512xi32, #tpu.memory_space<hbm>>)
    %add3A_113 = arith.constant 1984 : i32
    %add3A_114 = arith.addi %mul3A_2, %add3A_113 : i32
    %dma_wait3A_115 = arith.constant 0 : i32
    %dma_wait3A_116 = tpu.memref_slice %arg4[%add3A_114, %dma_wait3A_115] : memref<65536x512xi32, #tpu.memory_space<hbm>> -> memref<16x512xi32, #tpu.memory_space<hbm>>
    %dma_wait3A_117 = arith.constant 0 : i32
    %dma_wait3A_118 = tpu.memref_slice %arg4[%add3A_114, %dma_wait3A_117] : memref<65536x512xi32, #tpu.memory_space<hbm>> -> memref<16x512xi32, #tpu.memory_space<hbm>>
    tpu.wait_dma2 semaphore(%arg26 : memref<!tpu.dma_semaphore, #tpu.memory_space<semaphore_mem>>) src(%arg10 : memref<16x512xi32, #tpu.memory_space<vmem>>) dst(%dma_wait3A_118 : memref<16x512xi32, #tpu.memory_space<hbm>>)
    %add3A_119 = arith.constant 2000 : i32
    %add3A_120 = arith.addi %mul3A_2, %add3A_119 : i32
    %dma_wait3A_121 = arith.constant 0 : i32
    %dma_wait3A_122 = tpu.memref_slice %arg4[%add3A_120, %dma_wait3A_121] : memref<65536x512xi32, #tpu.memory_space<hbm>> -> memref<16x512xi32, #tpu.memory_space<hbm>>
    %dma_wait3A_123 = arith.constant 0 : i32
    %dma_wait3A_124 = tpu.memref_slice %arg4[%add3A_120, %dma_wait3A_123] : memref<65536x512xi32, #tpu.memory_space<hbm>> -> memref<16x512xi32, #tpu.memory_space<hbm>>
    tpu.wait_dma2 semaphore(%arg27 : memref<!tpu.dma_semaphore, #tpu.memory_space<semaphore_mem>>) src(%arg11 : memref<16x512xi32, #tpu.memory_space<vmem>>) dst(%dma_wait3A_124 : memref<16x512xi32, #tpu.memory_space<hbm>>)
    %add3A_125 = arith.constant 2016 : i32
    %add3A_126 = arith.addi %mul3A_2, %add3A_125 : i32
    %dma_wait3A_127 = arith.constant 0 : i32
    %dma_wait3A_128 = tpu.memref_slice %arg4[%add3A_126, %dma_wait3A_127] : memref<65536x512xi32, #tpu.memory_space<hbm>> -> memref<16x512xi32, #tpu.memory_space<hbm>>
    %dma_wait3A_129 = arith.constant 0 : i32
    %dma_wait3A_130 = tpu.memref_slice %arg4[%add3A_126, %dma_wait3A_129] : memref<65536x512xi32, #tpu.memory_space<hbm>> -> memref<16x512xi32, #tpu.memory_space<hbm>>
    tpu.wait_dma2 semaphore(%arg28 : memref<!tpu.dma_semaphore, #tpu.memory_space<semaphore_mem>>) src(%arg12 : memref<16x512xi32, #tpu.memory_space<vmem>>) dst(%dma_wait3A_130 : memref<16x512xi32, #tpu.memory_space<hbm>>)
    %add3A_131 = arith.constant 2032 : i32
    %add3A_132 = arith.addi %mul3A_2, %add3A_131 : i32
    %dma_wait3A_133 = arith.constant 0 : i32
    %dma_wait3A_134 = tpu.memref_slice %arg4[%add3A_132, %dma_wait3A_133] : memref<65536x512xi32, #tpu.memory_space<hbm>> -> memref<16x512xi32, #tpu.memory_space<hbm>>
    %dma_wait3A_135 = arith.constant 0 : i32
    %dma_wait3A_136 = tpu.memref_slice %arg4[%add3A_132, %dma_wait3A_135] : memref<65536x512xi32, #tpu.memory_space<hbm>> -> memref<16x512xi32, #tpu.memory_space<hbm>>
    tpu.wait_dma2 semaphore(%arg29 : memref<!tpu.dma_semaphore, #tpu.memory_space<semaphore_mem>>) src(%arg13 : memref<16x512xi32, #tpu.memory_space<vmem>>) dst(%dma_wait3A_136 : memref<16x512xi32, #tpu.memory_space<hbm>>)
    return
  }
}

</mosaic_0001>

<sc_bundles>
// kernel: kernel.3.cloned.1.call-start
scs
__scs_entry_jumppad:
0x0: {  	(pc) =	sbr.rel $0x88, $3  }
0x1: {  	(tag) =	ssettag $0x0;
	lr =	simm.s32 $0x1  }
0x2: {  	[smem:$0x3F9D] =	sst lr;
	_ =	strace $0xD0000000  }
0x3: {  	_ = 	snop  }
0x4: {  	_ = 	snop  }
0x5: {  	_ = 	snop  }
0x6: {  	_ = 	snop  }
0x7: {  	_ = 	snop  }
__scs_overlays_trampoline_lowered:
0x8: {  	[smem:$0x3FAC] =	sst s0  }
0x9: {  	[smem:$0x3FAD] =	sst s1  }
0xa: {  	[smem:$0x3FAE] =	sst s2  }
0xb: {  	[smem:$0x3FAF] =	sst s3  }
0xc: {  	[smem:$0x3FB0] =	sst s4  }
0xd: {  	[smem:$0x3FB1] =	sst s5  }
0xe: {  	[smem:$0x3FB2] =	sst s6  }
0xf: {  	[smem:$0x3FB3] =	sst s7  }
0x10: {  	[smem:$0x3FB4] =	sst s8  }
0x11: {  	[smem:$0x3FB5] =	sst s9;
	s0 =	simm.s32 @!p0 $0x0  }
0x12: {  	s1 =	sld [smem:$0x3F9B];
	s0 =	simm.s32 @p0 $0x1  }
0x13: {  	[smem:$0x3FB6] =	sst s0;
	s0 =	simm.s32 @!p1 $0x0  }
0x14: {  	s2 =	sld [smem:$0x3F9A];
	s0 =	simm.s32 @p1 $0x1  }
0x15: {  	[smem:$0x3FB7] =	sst s0;
	s0 =	simm.s32 @!p2 $0x0  }
0x16: {  	s3 =	sld [smem:$0x3FDB];
	s0 =	simm.s32 @p2 $0x1  }
0x17: {  	s4 =	simm.s32 $0x1BF5;
	[smem:$0x3FB9] =	sst s0  }
0x18: {  	s0 =	sld [smem:$0x3F9C];
	_ =	swait.ge [sflag:s4], $0x0  }
0x19: {  	s7 =	sld [smem:$0x3F9D]  }
0x1a: {  	s8 =	sadd.s32 $0xFFFFE003, lr  }
0x1b: {  	s9 =	sadd.s32 $0xFFFFFEF7, lr;
	s5 =	simm.s32 $0xFFFFFFFF;
	p2 =	slt.u32 s8, $0xFFFFF086  }
0x1c: {  	p1 =	slt.u32 s9, $0xF7A;
	s5 =	simm.s32 @!p2 $0x0  }
0x1d: {  	s5 =	simm.s32 @p1 $0x1;
	p0 =	seq.s32 s7, s2  }
0x1e: {  	s7 =	smul.u32 @!p0 $0xF7A, s2;
	p2 =	seq.s32 @!p0 s5, $0x0  }
0x1f: {  	s9 =	smul.u32 $0xF7A, s1;
	s8 =	simm.s32 @!p0 $0x1BF5;
	p2 =	por !p2, p0  }
0x20: {  	[sflag:s8] =	ssyncset.s32 @!p0 $0xFFFFF086;
	s6 =	sadd.s32 @!p0 s3, s7;
	s7 =	simm.s32 @!p0 $0x108  }
0x21: {  	s3 =	sadd.s32 s3, s9;
	s6 =	sadd.s32 @!p0 $0x88, s6;
	s7 =	simm.s32 @p2 $0x1082  }
0x22: {  	[simem:s7], [sflag:s8] =	dma.local @!p0 [hbm:s6], $0xF7A  }
0x23: {  	s9 =	sor.u32 $0xD0000000, s2;
	s6 =	simm.s32 $0x108;
	_ =	swait.ge @!p0 [sflag:s8], $0x0  }
0x24: {  	s3 =	sadd.s32 $0x88, s3;
	s6 =	simm.s32 @!p1 $0x1082;
	[sflag:s4] =	ssyncset.s32 $0xFFFFF086  }
0x25: {  	[simem:s6], [sflag:s4] =	dma.local [hbm:s3], $0xF7A  }
0x26: {  	[smem:$0x3F9D] =	sst s1;
	(tag) =	ssettag s2;
	_ =	strace s9  }
0x27: {  	s1 =	sld [smem:$0x3FAD]  }
0x28: {  	s2 =	sld [smem:$0x3FAE]  }
0x29: {  	s4 =	sld [smem:$0x3FB0]  }
0x2a: {  	p0 =	seq.s32 s5, $0x0;
	s5 =	sld [smem:$0x3FB1]  }
0x2b: {  	s6 =	sld [smem:$0x3FB2]  }
0x2c: {  	s7 =	sld [smem:$0x3FB3]  }
0x2d: {  	s3 =	simm.s32 $0x108;
	s8 =	sld [smem:$0x3FB4]  }
0x2e: {  	s3 =	simm.s32 @!p0 $0x1082;
	s9 =	sld [smem:$0x3FB5]  }
0x2f: {  	lr =	sadd.s32 s0, s3;
	s0 =	sld [smem:$0x3FAC]  }
0x30: {  	s3 =	sld [smem:$0x3FAF]  }
0x31: {  	[smem:$0x3FB8] =	sst s10  }
0x32: {  	s10 =	sld [smem:$0x3FB6];
	_ =	sdelay $0x3  }
0x33: {  	p0 =	seq.s32 s10, $0x1;
	s10 =	sld [smem:$0x3FB8];
	_ =	sdelay $0x3  }
0x34: {  	[smem:$0x3FB8] =	sst s10  }
0x35: {  	s10 =	sld [smem:$0x3FB7];
	_ =	sdelay $0x3  }
0x36: {  	p1 =	seq.s32 s10, $0x1;
	s10 =	sld [smem:$0x3FB8];
	_ =	sdelay $0x3  }
0x37: {  	[smem:$0x3FB8] =	sst s10  }
0x38: {  	s10 =	sld [smem:$0x3FB9]  }
0x39: {  	_ = 	snop;
	(pc) =	sbr.ind lr, $3  }
0x3a: {  	_ = 	snop  }
0x3b: {  	_ = 	snop  }
0x3c: {  	p2 =	seq.s32 s10, $0x1;
	s10 =	sld [smem:$0x3FB8]  }
0x3d: {  	_ =	shalt  }
0x3e: {  	_ =	shalt  }
0x3f: {  	_ =	shalt  }
0x40: {  	_ =	shalt  }
0x41: {  	_ =	shalt  }
0x42: {  	_ =	shalt  }
0x43: {  	_ =	shalt  }
0x44: {  	_ =	shalt  }
0x45: {  	_ =	shalt  }
0x46: {  	_ =	shalt  }
0x47: {  	_ =	shalt  }
0x48: {  	_ =	shalt  }
0x49: {  	_ =	shalt  }
0x4a: {  	_ =	shalt  }
0x4b: {  	_ =	shalt  }
0x4c: {  	_ =	shalt  }
0x4d: {  	_ =	shalt  }
0x4e: {  	_ =	shalt  }
0x4f: {  	_ =	shalt  }
0x50: {  	_ =	shalt  }
0x51: {  	_ =	shalt  }
0x52: {  	_ =	shalt  }
0x53: {  	_ =	shalt  }
0x54: {  	_ =	shalt  }
0x55: {  	_ =	shalt  }
0x56: {  	_ =	shalt  }
0x57: {  	_ =	shalt  }
0x58: {  	_ =	shalt  }
0x59: {  	_ =	shalt  }
0x5a: {  	_ =	shalt  }
0x5b: {  	_ =	shalt  }
0x5c: {  	_ =	shalt  }
0x5d: {  	_ =	shalt  }
0x5e: {  	_ =	shalt  }
0x5f: {  	_ =	shalt  }
0x60: {  	_ =	shalt  }
0x61: {  	_ =	shalt  }
0x62: {  	_ =	shalt  }
0x63: {  	_ =	shalt  }
0x64: {  	_ =	shalt  }
0x65: {  	_ =	shalt  }
0x66: {  	_ =	shalt  }
0x67: {  	_ =	shalt  }
0x68: {  	_ =	shalt  }
0x69: {  	_ =	shalt  }
0x6a: {  	_ =	shalt  }
0x6b: {  	_ =	shalt  }
0x6c: {  	_ =	shalt  }
0x6d: {  	_ =	shalt  }
0x6e: {  	_ =	shalt  }
0x6f: {  	_ =	shalt  }
0x70: {  	_ =	shalt  }
0x71: {  	_ =	shalt  }
0x72: {  	_ =	shalt  }
0x73: {  	_ =	shalt  }
0x74: {  	_ =	shalt  }
0x75: {  	_ =	shalt  }
0x76: {  	_ =	shalt  }
0x77: {  	_ =	shalt  }
0x78: {  	_ =	shalt  }
0x79: {  	_ =	shalt  }
0x7a: {  	_ =	shalt  }
0x7b: {  	_ =	shalt  }
0x7c: {  	_ =	shalt  }
0x7d: {  	_ =	shalt  }
0x7e: {  	_ =	shalt  }
0x7f: {  	_ =	shalt  }
0x80: {  	_ =	shalt  }
0x81: {  	_ =	shalt  }
0x82: {  	_ =	shalt  }
0x83: {  	_ =	shalt  }
0x84: {  	_ =	shalt  }
0x85: {  	_ =	shalt  }
0x86: {  	_ =	shalt  }
0x87: {  	_ =	shalt  }
.Lfunc_end0:
.L_simem_size_0:
called_computation_lowered:
.L_overlay_start_0:
0x88: {  	s2 =	sld [smem:$0x3FD9]  }
0x89: {  	s3 =	sld [smem:$0x3FFE];
	_ =	sdelay $0x1  }
0x8a: {  	s1 =	srdreg.scid  }
0x8b: {  	s0 =	sand.u32 $0x1, s1  }
0x8c: {  	s17 =	sshll.u32 s0, $0xA;
	s2 =	sadd.s32 s3, s2  }
0x8d: {  	s2 =	sadd.s32 s2, s17  }
0x8e: {  	[smem:$0x3FC4] =	sst s2  }
0x8f: {  	_ = 	snop  }
0x90: {  	s2 =	sld [smem:$0x3FC9]  }
0x91: {  	s18 =	sld [smem:$0x3FD0];
	(tm) =	ssettm $0x1  }
0x92: {  	s4 =	sld [smem:$0x3FFB];
	_ =	sdelay $0x3  }
0x93: {  	_ =	strace s4  }
0x94: {  	s4 =	sld [smem:$0x3FFC];
	_ =	sdelay $0x3  }
0x95: {  	_ =	strace s4  }
0x96: {  	s4 =	sld [smem:$0x3FFD];
	_ =	sdelay $0x3  }
0x97: {  	_ =	strace s4  }
0x98: {  	_ =	strace $0x8FFFFFFF  }
0x99: {  	s19 =	sld [smem:$0x3FDB];
	_ =	sdelay $0x1  }
0x9a: {  	s5 =	simm.s32 $_scs_section_size  }
0x9b: {  	s6 =	simm.s32 $_size__tile_overlayer_lowered;
	s7 =	simm.s32 $_tile_overlayer_lowered  }
0x9c: {  	s22 =	simm.s32 $0x1BFF;
	s21 =	sshll.u32 s7, $0x1;
	s4 =	sadd.s32 s5, s19  }
0x9d: {  	s8 =	simm.s32 $0x0;
	s20 =	sshll.u32 s6, $0x1;
	s6 =	sadd.s32 s21, s4  }
0x9e: {  	[timem:s8], [sflag:s22] =	dma.local [hbm:s6], s20  }
0x9f: {  	_ =	swait.ge [sflag:s22], s20  }
0xa0: {  	s5 =	ssub.s32 $0x0, s20;
	[sflag:s22] =	ssyncset.done $0x0  }
0xa1: {  	[sflag:s22] =	ssyncadd.s32 s5;
	_ =	sdelay $0x1  }
0xa2: {  	s23 =	simm.s32 $0x1B8B  }
0xa3: {  	_ =	swait.ge [sflag:s23], $0x1  }
0xa4: {  	[sflag:s23] =	ssyncset.done $0x0  }
0xa5: {  	s25 =	simm.s32 $0x1B8E;
	s24 =	sld [smem:$0x3FFE];
	[sflag:s23] =	ssyncadd.s32 $0xFFFFFFFF  }
0xa6: {  	s26 =	simm.s32 $execute0_lowered;
	[smem:$0x3FD2] =	sst s25  }
0xa7: {  	s6 =	sshll.u32 s26, $0x1;
	_ =	strace $0x80000046;
	[dreg:$0x1] =	wrdreg $0xFFFFFFFF  }
0xa8: {  	s28 =	simm.s32 $_size_execute0_lowered;
	s4 =	sadd.s32 s4, s6;
	[dreg:$0x0] =	wrdreg $0x0  }
0xa9: {  	s6 =	sshll.u32 s28, $0x1;
	[dreg:$0x2] =	wrdreg s4  }
0xaa: {  	[dreg:$0x3] =	wrdreg s6  }
0xab: {  	[dreg:$0x4] =	wrdreg $0xC0  }
0xac: {  	_ =	task [dreg:s8], $0x5FFFF  }
0xad: {  	[dreg:$0x1] =	wrdreg $0xFFFFFFFF  }
0xae: {  	[dreg:$0x0] =	wrdreg $0x60  }
0xaf: {  	[dreg:$0x2] =	wrdreg s2  }
0xb0: {  	[dreg:$0x3] =	wrdreg s24  }
0xb1: {  	[dreg:$0x4] =	wrdreg s18  }
0xb2: {  	[dreg:$0x5] =	wrdreg $0x9  }
0xb3: {  	_ =	task.clear_ibuf [dreg:s8], $0x6FFFF;
	_ =	strace $0x90000046  }
0xb4: {  	s29 =	simm.s32 $0x9;
	_ =	strace $0x80000048  }
0xb5: {  	_ =	swait.ge [sflag:s29], $0x1  }
0xb6: {  	[sflag:s29] =	ssyncadd.s32 $0xFFFFFFFF  }
0xb7: {  	_ =	strace $0x90000048  }
0xb8: {  	_ =	sfence  }
0xb9: {  	s30 =	sld [smem:$0x0];
	_ =	sdelay $0x2  }
0xba: {  	s31 =	sshll.u32 s1, $0xD;
	s1 =	sshrl.u32 s1, $0x2  }
0xbb: {  	s3 =	sand.u32 $0x4000, s31;
	s1 =	sadd.s32 s1, s30  }
0xbc: {  	s0 =	sor.u32 s3, s0;
	s1 =	sshll.u32 s1, $0x11  }
0xbd: {  	s0 =	sor.u32 s1, s0  }
0xbe: {  	s0 =	sadd.s32 $0x8F2B, s0  }
0xbf: {  	[sflag:s0] =	ssyncadd.remote.s32 $0x1  }
0xc0: {  	_ =	sfence.sel $0xFFFF  }
0xc1: {  	[dreg:$0x0] =	wrdreg $0xFFFFFFFF;
	(pc) =	sbr.abs _section_cstart, $3  }
0xc2: {  	[dreg:$0x1] =	wrdreg $0xFFFFFFFF  }
0xc3: {  	_ =	task.clear_ibuf [dreg:s8], $0x2FFFF;
	_ =	strace $0x9FFFFFFF  }
0xc4: {  	(tm) =	ssettm $0x7FFFFFFF  }
0xc5: {  	_ =	shalt  }
tec
execute0_lowered:
.L_overlay_start_1:
0x0: {  	(tag) =	ssettag $0x1  }
0x1: {  	s0 =	rddreg [dreg:$0x0]  }
0x2: {  	s1 =	rddreg [dreg:$0x1]  }
0x3: {  	s3 =	rddreg [dreg:$0x2]  }
0x4: {  	s2 =	simm.s32 $0x0;
	s4 =	srdreg.scid;
	s6 =	stileid.u32  }
0x5: {  	s13 =	simm.s32 $0x180;
	s14 =	simm.s32 $0x2180;
	s15 =	simm.s32 $0x4180  }
0x6: {  	v0 =	vimm.s32 $0x10;
	v2 =	vimm.s32 $0x1380;
	vm0 =	vcmask $0x300;
	s16 =	simm.s32 $0x6180;
	s17 =	simm.s32 $0x8180;
	s18 =	simm.s32 $0xA180  }
0x7: {  	v1 =	vimm.s32 $0x11;
	vm14 =	vcmask $0x704;
	s20 =	simm.s32 $0x1;
	s28 =	simm.s32 $0x6;
	s29 =	simm.s32 $0x7;
	v3 =	vsel vm0, $0x0, v2  }
0x8: {  	vm15 =	vcmask $0xB08;
	vm4 =	vcmask $0xF0C;
	s30 =	simm.s32 $0x8;
	s9 =	simm.s32 $0x0;
	[smem:$0x7FF] =	sst s2;
	v4 =	vsel vm14, $0x80, v3  }
0x9: {  	vm5 =	vcmask $0x1310;
	vm6 =	vcmask $0x1714;
	s4 =	sand.u32 $0x1, s4;
	s6 =	sshll.u32 s6, $0x12;
	s1 =	sadd.s32 $0x400, s1;
	v5 =	vsel vm15, $0x100, v4  }
0xa: {  	vm7 =	vcmask $0x1B18;
	vm8 =	vcmask $0x1F1C;
	s5 =	ssub.s32 $0x2, s4;
	s4 =	sshll.u32 s4, $0x11;
	_ =	strace $0x80000047;
	v6 =	vsel vm4, $0x180, v5  }
0xb: {  	vm9 =	vcmask $0x2320;
	vm10 =	vcmask $0x2724;
	[dreg:$0x4] =	wrdreg s1;
	s31 =	sadd.s32 s6, s3;
	s7 =	sshrl.u32 s5, $0x1;
	v7 =	vsel vm5, $0x200, v6  }
0xc: {  	vm11 =	vcmask $0x2B28;
	vm12 =	vcmask $0x2F2C;
	s8 =	sor.u32 s4, s6;
	s12 =	sadd.s32 s4, s31;
	s21 =	ssub.s32 s5, s7;
	v8 =	vsel vm6, $0x280, v7  }
0xd: {  	vm13 =	vcmask $0x3330;
	v17 =	vimm.s32 $0x0;
	s22 =	sadd.s32 s0, s8;
	s0 =	sadd.s32 s6, s0;
	s6 =	simm.s32 $0xE;
	v9 =	vsel vm7, $0x300, v8  }
0xe: {  	v2 =	vimm.s32 $0x12;
	v3 =	vimm.s32 $0x13;
	s7 =	simm.s32 $0xF;
	s23 =	sadd.s32 $0x400, s22;
	[dreg:$0x5] =	wrdreg s22;
	v10 =	vsel vm8, $0x380, v9  }
0xf: {  	vm14 =	vcmask $0x3734;
	v4 =	vimm.s32 $0x14;
	s8 =	simm.s32 $0x10;
	s24 =	sadd.s32 $0x800, s22;
	[dreg:$0x6] =	wrdreg s23;
	v11 =	vsel vm9, $0x1000, v10  }
0x10: {  	vm15 =	vcmask $0x3B38;
	v5 =	vimm.s32 $0x15;
	s25 =	sadd.s32 $0xC00, s22;
	s26 =	sadd.s32 $0x1000, s22;
	[dreg:$0x7] =	wrdreg s24;
	v12 =	vsel vm10, $0x1080, v11  }
.Ltmp0:
0x11: {  	s5 =	sadd.s32 $0x1400, s22;
	v6 =	vimm.s32 $0x16;
	[dreg:$0x8] =	wrdreg s25;
	v7 =	vimm.s32 $0x17;
	v13 =	vsel vm11, $0x1100, v12;
	(pc) =	sbr.rel .LBB2_1-.Ltmp0, $4  }
0x12: {  	s1 =	smax.u32 s21, $0x1;
	s11 =	sadd.s32 s4, s0;
	[dreg:$0x9] =	wrdreg s26;
	v8 =	vimm.s32 $0x20;
	v9 =	vimm.s32 $0x21;
	v14 =	vsel vm12, $0x1180, v13  }
0x13: {  	s21 =	simm.s32 $0xC180;
	s22 =	simm.s32 $0x2;
	[dreg:$0xa] =	wrdreg s5;
	v10 =	vimm.s32 $0x22;
	v11 =	vimm.s32 $0x23;
	v15 =	vsel vm13, $0x1200, v14  }
0x14: {  	[dreg:$0xb] =	wrdreg s1;
	s23 =	simm.s32 $0xE180;
	s24 =	simm.s32 $0x3;
	v12 =	vimm.s32 $0x24;
	v13 =	vimm.s32 $0x25;
	v16 =	vsel vm14, $0x1280, v15  }
0x15: {  	s25 =	simm.s32 $0x4;
	s26 =	simm.s32 $0x5;
	s5 =	simm.s32 $0xD;
	v14 =	vimm.s32 $0x26;
	v15 =	vimm.s32 $0x27;
	v16 =	vsel vm15, $0x1300, v16  }
.LBB2_4:
0x16: {  	s0 =	simm.s32 $0x9  }
0x17: {  	_ =	swait.ge [sflag:s0], $0x2000  }
0x18: {  	[sflag:s0] =	ssyncset.done $0x0  }
0x19: {  	s4 =	simm.s32 $0xA;
	[sflag:s0] =	ssyncadd.s32 $0xFFFFE000  }
0x1a: {  	_ =	swait.ge [sflag:s4], $0x2000  }
0x1b: {  	[sflag:s4] =	ssyncset.done $0x0  }
0x1c: {  	s10 =	simm.s32 $0xB;
	[sflag:s4] =	ssyncadd.s32 $0xFFFFE000  }
0x1d: {  	_ =	swait.ge [sflag:s10], $0x2000  }
0x1e: {  	[sflag:s10] =	ssyncset.done $0x0  }
0x1f: {  	s19 =	simm.s32 $0xC;
	[sflag:s10] =	ssyncadd.s32 $0xFFFFE000  }
0x20: {  	_ =	swait.ge [sflag:s19], $0x2000  }
0x21: {  	[sflag:s19] =	ssyncset.done $0x0  }
0x22: {  	[sflag:s19] =	ssyncadd.s32 $0xFFFFE000  }
0x23: {  	_ =	swait.ge [sflag:s5], $0x2000  }
0x24: {  	[sflag:s5] =	ssyncset.done $0x0  }
0x25: {  	[sflag:s5] =	ssyncadd.s32 $0xFFFFE000  }
0x26: {  	_ =	swait.ge [sflag:s6], $0x2000  }
0x27: {  	[sflag:s6] =	ssyncset.done $0x0  }
0x28: {  	[sflag:s6] =	ssyncadd.s32 $0xFFFFE000  }
0x29: {  	_ =	swait.ge [sflag:s7], $0x2000  }
0x2a: {  	[sflag:s7] =	ssyncset.done $0x0  }
0x2b: {  	[sflag:s7] =	ssyncadd.s32 $0xFFFFE000  }
0x2c: {  	_ =	swait.ge [sflag:s8], $0x2000  }
0x2d: {  	s9 =	sadd.s32 $0x1, s9;
	s31 =	rddreg [dreg:$0xb]  }
0x2e: {  	p0 =	sne.s32 s9, s31  }
.Ltmp1:
0x2f: {  	_ = 	snop;
	(pc) =	sbr.rel @!p0 .LBB2_5-.Ltmp1, $3  }
0x30: {  	_ =	sdelay $0x1  }
0x31: {  	[sflag:s8] =	ssyncset.done $0x0  }
0x32: {  	[sflag:s8] =	ssyncadd.s32 $0xFFFFE000  }
.LBB2_1:
0x33: {  	s0 =	rddreg [dreg:$0x5]  }
0x34: {  	[tilespmem:s13], [sflag:$0x1] =	stream.linear.gather [hbm4b:s0+s2], $0x2000, $0x38;
	[tilespmem:$0x10180] =	vst v63  }
0x35: {  	s31 =	rddreg [dreg:$0x6]  }
0x36: {  	[tilespmem:s14], [sflag:$0x2] =	stream.linear.gather [hbm4b:s31+s2], $0x2000, $0x38;
	[tilespmem:$0x10180] =	vst v63  }
0x37: {  	s1 =	rddreg [dreg:$0x7]  }
0x38: {  	[tilespmem:s15], [sflag:$0x3] =	stream.linear.gather [hbm4b:s1+s2], $0x2000, $0x38;
	[tilespmem:$0x10180] =	vst v63  }
0x39: {  	s3 =	rddreg [dreg:$0x8]  }
0x3a: {  	[tilespmem:s16], [sflag:$0x4] =	stream.linear.gather [hbm4b:s3+s2], $0x2000, $0x38;
	[tilespmem:$0x10180] =	vst v63  }
0x3b: {  	s4 =	rddreg [dreg:$0x9]  }
0x3c: {  	[tilespmem:s17], [sflag:$0x5] =	stream.linear.gather [hbm4b:s4+s2], $0x2000, $0x38;
	[tilespmem:$0x10180] =	vst v63  }
0x3d: {  	s10 =	rddreg [dreg:$0xa]  }
0x3e: {  	[tilespmem:s18], [sflag:$0x6] =	stream.linear.gather [hbm4b:s10+s2], $0x2000, $0x38;
	[tilespmem:$0x10180] =	vst v63  }
0x3f: {  	s19 =	rddreg [dreg:$0x4];
	s31 =	simm.s32 $0x11  }
0x40: {  	[tilespmem:s2], [sflag:$0x11] =	stream.linear.gather [hbm4b:s19+s2], $0x180, $0x38;
	[tilespmem:$0x10180] =	vst v63  }
0x41: {  	_ =	swait.ge [sflag:s31], $0x180  }
0x42: {  	[sflag:s31] =	ssyncset.done $0x0  }
0x43: {  	[sflag:s31] =	ssyncadd.s32 $0xFFFFFE80  }
0x44: {  	v18 =	vld.idx.msk [tilespmem:v0+s2+$0x0], $0xffff  }
0x45: {  	v19 =	vld.idx.msk [tilespmem:v1+s2+$0x0], $0xffff  }
0x46: {  	v21 =	vld.idx.msk [tilespmem:v3+s2+$0x0], $0xffff  }
0x47: {  	v25 =	vld.idx.msk [tilespmem:v5+s2+$0x0], $0xffff  }
0x48: {  	v27 =	vld.idx.msk [tilespmem:v6+s2+$0x0], $0xffff  }
0x49: {  	v28 =	vld.idx.msk [tilespmem:v7+s2+$0x0], $0xffff;
	_ =	sdelay $0x1  }
0x4a: {  	v20 =	vld.idx.msk [tilespmem:v2+s2+$0x0], $0xffff;
	v22 =	vshll.u32 v18, $0x3  }
0x4b: {  	v18 =	vand.u32 $0x7F, v18;
	v24 =	vshll.u32 v19, $0x3;
	v19 =	vand.u32 $0x7F, v19  }
0x4c: {  	v29 =	vand.u32 $0x7F, v21;
	v30 =	vshll.u32 v25, $0x3;
	v32 =	vand.u32 $0x7F, v25  }
0x4d: {  	v23 =	vld.idx.msk [tilespmem:v4+s2+$0x0], $0xffff;
	v63 =	vshll.u32 v27, $0x3;
	v33 =	vshll.u32 v28, $0x3;
	v22 =	vand.u32 $0xFFFFFC00, v22  }
0x4e: {  	v34 =	vand.u32 $0x7F, v28;
	v18 =	vor.u32 v18, v22;
	v22 =	vand.u32 $0xFFFFFC00, v24  }
0x4f: {  	v30 =	vand.u32 $0xFFFFFC00, v30;
	v22 =	vor.u32 v19, v22;
	v19 =	vshll.u32 v20, $0x3  }
0x50: {  	v28 =	vld.idx.msk [tilespmem:v14+s2+$0x0], $0xffff;
	v24 =	vshll.u32 v21, $0x3;
	v20 =	vand.u32 $0x7F, v20;
	v19 =	vand.u32 $0xFFFFFC00, v19  }
0x51: {  	v24 =	vand.u32 $0xFFFFFC00, v24;
	v26 =	vor.u32 v20, v19;
	v19 =	vld.idx.msk [tilespmem:v8+s2+$0x0], $0xffff;
	v20 =	vadd.s32 v16, v22  }
0x52: {  	v22 =	vld.idx.msk [tilespmem:v9+s2+$0x0], $0xffff;
	v21 =	vadd.s32 v16, v26;
	v26 =	vor.u32 v29, v24;
	v24 =	vshll.u32 v23, $0x3  }
0x53: {  	v33 =	vand.u32 $0xFFFFFC00, v33;
	v29 =	vand.u32 $0x7F, v23;
	v23 =	vld.idx.msk [tilespmem:v10+s2+$0x0], $0xffff;
	v31 =	vand.u32 $0xFFFFFC00, v24  }
0x54: {  	v33 =	vor.u32 v34, v33;
	v24 =	vld.idx.msk [tilespmem:v11+s2+$0x0], $0xffff;
	v25 =	vadd.s32 v16, v26;
	v29 =	vor.u32 v29, v31  }
0x55: {  	v26 =	vld.idx.msk [tilespmem:v12+s2+$0x0], $0xffff;
	v31 =	vor.u32 v32, v30;
	v30 =	vand.u32 $0x7F, v27;
	v32 =	vand.u32 $0xFFFFFC00, v63  }
0x56: {  	v18 =	vadd.s32 v16, v18;
	v33 =	vadd.s32 v16, v33;
	v27 =	vld.idx.msk [tilespmem:v13+s2+$0x0], $0xffff;
	v32 =	vor.u32 v30, v32  }
0x57: {  	s10 =	simm.s32 $0x0;
	v29 =	vadd.s32 v16, v29;
	v30 =	vld.idx.msk [tilespmem:v15+s2+$0x0], $0xffff;
	v31 =	vadd.s32 v16, v31;
	v32 =	vadd.s32 v16, v32  }
.LBB2_2:
0x58: {  	_ = 	snop  }
0x59: {  	_ =	swait.ge [sflag:s20], $0x2000  }
0x5a: {  	[sflag:s20] =	ssyncset.done $0x0  }
0x5b: {  	[sflag:s20] =	ssyncadd.s32 $0xFFFFE000  }
0x5c: {  	v34 =	vld.idx.msk [tilespmem:v18+s13+$0x0], $0xffff  }
0x5d: {  	v35 =	vld.idx.msk [tilespmem:v20+s13+$0x0], $0xffff  }
0x5e: {  	v36 =	vld.idx.msk [tilespmem:v21+s13+$0x0], $0xffff  }
0x5f: {  	v37 =	vld.idx.msk [tilespmem:v25+s13+$0x0], $0xffff  }
0x60: {  	v38 =	vld.idx.msk [tilespmem:v29+s13+$0x0], $0xffff  }
0x61: {  	v39 =	vld.idx.msk [tilespmem:v31+s13+$0x0], $0xffff  }
0x62: {  	v40 =	vld.idx.msk [tilespmem:v32+s13+$0x0], $0xffff;
	v34 =	vmul.u32 v19, v34;
	v35 =	vmul.u32 v22, v35  }
0x63: {  	v41 =	vld.idx.msk [tilespmem:v33+s13+$0x0], $0xffff;
	v36 =	vmul.u32 v23, v36  }
0x64: {  	v37 =	vmul.u32 v24, v37;
	v34 =	vadd.s32 v35, v34  }
0x65: {  	v61 =	vmul.u32 v26, v38;
	v34 =	vadd.s32 v36, v34  }
0x66: {  	v62 =	vmul.u32 v27, v39;
	v34 =	vadd.s32 v37, v34  }
0x67: {  	v63 =	vmul.u32 v28, v40;
	v34 =	vadd.s32 v61, v34  }
0x68: {  	v39 =	vmul.u32 v30, v41;
	v34 =	vadd.s32 v62, v34  }
0x69: {  	v34 =	vadd.s32 v63, v34  }
0x6a: {  	v34 =	vadd.s32 v39, v34  }
0x6b: {  	v34 =	vadd.s32 $0x30, v34;
	_ =	sdelay $0x4  }
0x6c: {  	v34 =	vld.idx.msk [tilespmem:v34+s2+$0x0], $0xffff;
	_ =	sdelay $0x4  }
0x6d: {  	v40 =	vand.u32 v19, v34  }
0x6e: {  	v41 =	vand.u32 v22, v34;
	vm0 =	vne.s32 v40, $0x0  }
0x6f: {  	v43 =	vand.u32 v23, v34;
	vm13 =	vne.s32 v41, $0x0;
	v42 =	vsel vm0, $0x1, v17  }
0x70: {  	v45 =	vand.u32 v24, v34;
	vm14 =	vne.s32 v43, $0x0;
	v44 =	vsel vm13, $0x1, v17;
	[tilespmem:v18+s13+$0x0] =	vst.idx.msk $0xffff, v42  }
0x71: {  	v47 =	vand.u32 v26, v34;
	vm15 =	vne.s32 v45, $0x0;
	v46 =	vsel vm14, $0x1, v17;
	[tilespmem:v20+s13+$0x0] =	vst.idx.msk $0xffff, v44  }
0x72: {  	v49 =	vand.u32 v27, v34;
	vm4 =	vne.s32 v47, $0x0;
	v48 =	vsel vm15, $0x1, v17;
	[tilespmem:v21+s13+$0x0] =	vst.idx.msk $0xffff, v46  }
0x73: {  	v51 =	vand.u32 v28, v34;
	vm5 =	vne.s32 v49, $0x0;
	v50 =	vsel vm4, $0x1, v17;
	[tilespmem:v25+s13+$0x0] =	vst.idx.msk $0xffff, v48  }
0x74: {  	v34 =	vand.u32 v30, v34;
	vm6 =	vne.s32 v51, $0x0;
	v52 =	vsel vm5, $0x1, v17;
	[tilespmem:v29+s13+$0x0] =	vst.idx.msk $0xffff, v50  }
0x75: {  	vm7 =	vne.s32 v34, $0x0;
	v35 =	vsel vm6, $0x1, v17;
	[tilespmem:v31+s13+$0x0] =	vst.idx.msk $0xffff, v52  }
0x76: {  	p0 =	seq.s32 s10, $0x0;
	v34 =	vsel vm7, $0x1, v17;
	[tilespmem:v32+s13+$0x0] =	vst.idx.msk $0xffff, v35  }
0x77: {  	s19 =	sadd.s32 s10, s12;
	s0 =	simm.s32 @!p0 $0xF;
	[tilespmem:v33+s13+$0x0] =	vst.idx.msk $0xffff, v34  }
0x78: {  	[hbm4b:s19+s2] =	stream.linear.scatter [tilespmem:s13], [sflag:$0x9], $0x2000, $0x38;
	[tilespmem:$0x10180] =	vst v63  }
0x79: {  	_ =	swait.ge @!p0 [sflag:s0], $0x2000  }
0x7a: {  	s4 =	sadd.s32 s10, s11;
	[sflag:s0] =	ssyncset.done @!p0 $0x0  }
0x7b: {  	s1 =	sadd.s32 $0x1800, s4;
	[sflag:s0] =	ssyncadd.s32 @!p0 $0xFFFFE000  }
0x7c: {  	[tilespmem:s21], [sflag:$0x7] =	stream.linear.gather [hbm4b:s1+s2], $0x2000, $0x38;
	[tilespmem:$0x10180] =	vst v63  }
0x7d: {  	_ =	swait.ge [sflag:s22], $0x2000  }
0x7e: {  	[sflag:s22] =	ssyncset.done $0x0  }
0x7f: {  	[sflag:s22] =	ssyncadd.s32 $0xFFFFE000  }
0x80: {  	v53 =	vld.idx.msk [tilespmem:v18+s14+$0x0], $0xffff  }
0x81: {  	v54 =	vld.idx.msk [tilespmem:v20+s14+$0x0], $0xffff  }
0x82: {  	v55 =	vld.idx.msk [tilespmem:v21+s14+$0x0], $0xffff  }
0x83: {  	v56 =	vld.idx.msk [tilespmem:v25+s14+$0x0], $0xffff  }
0x84: {  	v57 =	vld.idx.msk [tilespmem:v29+s14+$0x0], $0xffff  }
0x85: {  	v58 =	vld.idx.msk [tilespmem:v31+s14+$0x0], $0xffff  }
0x86: {  	v59 =	vld.idx.msk [tilespmem:v32+s14+$0x0], $0xffff;
	v34 =	vmul.u32 v19, v53;
	v35 =	vmul.u32 v22, v54  }
0x87: {  	v60 =	vld.idx.msk [tilespmem:v33+s14+$0x0], $0xffff;
	v36 =	vmul.u32 v23, v55  }
0x88: {  	v37 =	vmul.u32 v24, v56;
	v34 =	vadd.s32 v35, v34  }
0x89: {  	v61 =	vmul.u32 v26, v57;
	v34 =	vadd.s32 v36, v34  }
0x8a: {  	v62 =	vmul.u32 v27, v58;
	v34 =	vadd.s32 v37, v34  }
0x8b: {  	v63 =	vmul.u32 v28, v59;
	v34 =	vadd.s32 v61, v34  }
0x8c: {  	v39 =	vmul.u32 v30, v60;
	v34 =	vadd.s32 v62, v34  }
0x8d: {  	v34 =	vadd.s32 v63, v34  }
0x8e: {  	v34 =	vadd.s32 v39, v34  }
0x8f: {  	v34 =	vadd.s32 $0x30, v34;
	_ =	sdelay $0x4  }
0x90: {  	v34 =	vld.idx.msk [tilespmem:v34+s2+$0x0], $0xffff;
	_ =	sdelay $0x4  }
0x91: {  	v40 =	vand.u32 v19, v34  }
0x92: {  	v41 =	vand.u32 v22, v34;
	vm8 =	vne.s32 v40, $0x0  }
0x93: {  	v43 =	vand.u32 v23, v34;
	vm9 =	vne.s32 v41, $0x0;
	v42 =	vsel vm8, $0x1, v17  }
0x94: {  	v45 =	vand.u32 v24, v34;
	vm10 =	vne.s32 v43, $0x0;
	v44 =	vsel vm9, $0x1, v17;
	[tilespmem:v18+s14+$0x0] =	vst.idx.msk $0xffff, v42  }
0x95: {  	v47 =	vand.u32 v26, v34;
	vm11 =	vne.s32 v45, $0x0;
	v46 =	vsel vm10, $0x1, v17;
	[tilespmem:v20+s14+$0x0] =	vst.idx.msk $0xffff, v44  }
0x96: {  	v49 =	vand.u32 v27, v34;
	vm12 =	vne.s32 v47, $0x0;
	v48 =	vsel vm11, $0x1, v17;
	[tilespmem:v21+s14+$0x0] =	vst.idx.msk $0xffff, v46  }
0x97: {  	v51 =	vand.u32 v28, v34;
	vm13 =	vne.s32 v49, $0x0;
	v50 =	vsel vm12, $0x1, v17;
	[tilespmem:v25+s14+$0x0] =	vst.idx.msk $0xffff, v48  }
0x98: {  	v34 =	vand.u32 v30, v34;
	vm14 =	vne.s32 v51, $0x0;
	v52 =	vsel vm13, $0x1, v17;
	[tilespmem:v29+s14+$0x0] =	vst.idx.msk $0xffff, v50  }
0x99: {  	vm15 =	vne.s32 v34, $0x0;
	v35 =	vsel vm14, $0x1, v17;
	[tilespmem:v31+s14+$0x0] =	vst.idx.msk $0xffff, v52  }
0x9a: {  	v34 =	vsel vm15, $0x1, v17;
	[tilespmem:v32+s14+$0x0] =	vst.idx.msk $0xffff, v35  }
0x9b: {  	s3 =	sadd.s32 $0x400, s19;
	s0 =	simm.s32 @!p0 $0x10;
	[tilespmem:v33+s14+$0x0] =	vst.idx.msk $0xffff, v34  }
0x9c: {  	[hbm4b:s3+s2] =	stream.linear.scatter [tilespmem:s14], [sflag:$0xA], $0x2000, $0x38;
	[tilespmem:$0x10180] =	vst v63  }
0x9d: {  	_ =	swait.ge @!p0 [sflag:s0], $0x2000  }
0x9e: {  	[sflag:s0] =	ssyncset.done @!p0 $0x0  }
0x9f: {  	s31 =	sadd.s32 $0x1C00, s4;
	[sflag:s0] =	ssyncadd.s32 @!p0 $0xFFFFE000  }
0xa0: {  	[tilespmem:s23], [sflag:$0x8] =	stream.linear.gather [hbm4b:s31+s2], $0x2000, $0x38;
	[tilespmem:$0x10180] =	vst v63  }
0xa1: {  	_ =	swait.ge [sflag:s24], $0x2000  }
0xa2: {  	[sflag:s24] =	ssyncset.done $0x0  }
0xa3: {  	[sflag:s24] =	ssyncadd.s32 $0xFFFFE000  }
0xa4: {  	v53 =	vld.idx.msk [tilespmem:v18+s15+$0x0], $0xffff  }
0xa5: {  	v54 =	vld.idx.msk [tilespmem:v20+s15+$0x0], $0xffff  }
0xa6: {  	v55 =	vld.idx.msk [tilespmem:v21+s15+$0x0], $0xffff  }
0xa7: {  	v56 =	vld.idx.msk [tilespmem:v25+s15+$0x0], $0xffff  }
0xa8: {  	v57 =	vld.idx.msk [tilespmem:v29+s15+$0x0], $0xffff  }
0xa9: {  	v58 =	vld.idx.msk [tilespmem:v31+s15+$0x0], $0xffff  }
0xaa: {  	v59 =	vld.idx.msk [tilespmem:v32+s15+$0x0], $0xffff;
	v34 =	vmul.u32 v19, v53;
	v35 =	vmul.u32 v22, v54  }
0xab: {  	v60 =	vld.idx.msk [tilespmem:v33+s15+$0x0], $0xffff;
	v36 =	vmul.u32 v23, v55  }
0xac: {  	v37 =	vmul.u32 v24, v56;
	v34 =	vadd.s32 v35, v34  }
0xad: {  	v61 =	vmul.u32 v26, v57;
	v34 =	vadd.s32 v36, v34  }
0xae: {  	v62 =	vmul.u32 v27, v58;
	v34 =	vadd.s32 v37, v34  }
0xaf: {  	v63 =	vmul.u32 v28, v59;
	v34 =	vadd.s32 v61, v34  }
0xb0: {  	v39 =	vmul.u32 v30, v60;
	v34 =	vadd.s32 v62, v34  }
0xb1: {  	v34 =	vadd.s32 v63, v34  }
0xb2: {  	v34 =	vadd.s32 v39, v34  }
0xb3: {  	v34 =	vadd.s32 $0x30, v34;
	_ =	sdelay $0x4  }
0xb4: {  	v34 =	vld.idx.msk [tilespmem:v34+s2+$0x0], $0xffff;
	_ =	sdelay $0x4  }
0xb5: {  	v40 =	vand.u32 v19, v34  }
0xb6: {  	v41 =	vand.u32 v22, v34;
	vm4 =	vne.s32 v40, $0x0  }
0xb7: {  	v43 =	vand.u32 v23, v34;
	vm5 =	vne.s32 v41, $0x0;
	v42 =	vsel vm4, $0x1, v17  }
0xb8: {  	v45 =	vand.u32 v24, v34;
	vm6 =	vne.s32 v43, $0x0;
	v44 =	vsel vm5, $0x1, v17;
	[tilespmem:v18+s15+$0x0] =	vst.idx.msk $0xffff, v42  }
0xb9: {  	v47 =	vand.u32 v26, v34;
	vm7 =	vne.s32 v45, $0x0;
	v46 =	vsel vm6, $0x1, v17;
	[tilespmem:v20+s15+$0x0] =	vst.idx.msk $0xffff, v44  }
0xba: {  	v49 =	vand.u32 v27, v34;
	vm8 =	vne.s32 v47, $0x0;
	v48 =	vsel vm7, $0x1, v17;
	[tilespmem:v21+s15+$0x0] =	vst.idx.msk $0xffff, v46  }
0xbb: {  	v51 =	vand.u32 v28, v34;
	vm9 =	vne.s32 v49, $0x0;
	v50 =	vsel vm8, $0x1, v17;
	[tilespmem:v25+s15+$0x0] =	vst.idx.msk $0xffff, v48  }
0xbc: {  	v34 =	vand.u32 v30, v34;
	vm10 =	vne.s32 v51, $0x0;
	v52 =	vsel vm9, $0x1, v17;
	[tilespmem:v29+s15+$0x0] =	vst.idx.msk $0xffff, v50  }
0xbd: {  	vm11 =	vne.s32 v34, $0x0;
	v35 =	vsel vm10, $0x1, v17;
	[tilespmem:v31+s15+$0x0] =	vst.idx.msk $0xffff, v52  }
0xbe: {  	p0 =	seq.s32 s10, $0x1E000;
	v34 =	vsel vm11, $0x1, v17;
	[tilespmem:v32+s15+$0x0] =	vst.idx.msk $0xffff, v35  }
0xbf: {  	s1 =	sadd.s32 $0x800, s19;
	s0 =	simm.s32 @!p0 $0x9;
	[tilespmem:v33+s15+$0x0] =	vst.idx.msk $0xffff, v34  }
0xc0: {  	[hbm4b:s1+s2] =	stream.linear.scatter [tilespmem:s15], [sflag:$0xB], $0x2000, $0x38;
	[tilespmem:$0x10180] =	vst v63  }
0xc1: {  	_ =	swait.ge @!p0 [sflag:s0], $0x2000  }
0xc2: {  	s31 =	sadd.s32 @!p0 s10, s11;
	s3 =	simm.s32 @!p0 $0x180;
	[sflag:s0] =	ssyncset.done @!p0 $0x0  }
0xc3: {  	s1 =	sadd.s32 @!p0 $0x2000, s31;
	[sflag:s0] =	ssyncadd.s32 @!p0 $0xFFFFE000;
	s0 =	simm.s32 @!p0 $0x0  }
0xc4: {  	[tilespmem:s3], [sflag:$0x1] =	stream.linear.gather @!p0 [hbm4b:s1+s0], $0x2000, $0x38;
	[tilespmem:$0x10180] =	vst v63  }
0xc5: {  	_ =	swait.ge [sflag:s25], $0x2000  }
0xc6: {  	[sflag:s25] =	ssyncset.done $0x0  }
0xc7: {  	[sflag:s25] =	ssyncadd.s32 $0xFFFFE000  }
0xc8: {  	v53 =	vld.idx.msk [tilespmem:v18+s16+$0x0], $0xffff  }
0xc9: {  	v54 =	vld.idx.msk [tilespmem:v20+s16+$0x0], $0xffff  }
0xca: {  	v55 =	vld.idx.msk [tilespmem:v21+s16+$0x0], $0xffff  }
0xcb: {  	v56 =	vld.idx.msk [tilespmem:v25+s16+$0x0], $0xffff  }
0xcc: {  	v57 =	vld.idx.msk [tilespmem:v29+s16+$0x0], $0xffff  }
0xcd: {  	v58 =	vld.idx.msk [tilespmem:v31+s16+$0x0], $0xffff  }
0xce: {  	v59 =	vld.idx.msk [tilespmem:v32+s16+$0x0], $0xffff;
	v34 =	vmul.u32 v19, v53;
	v35 =	vmul.u32 v22, v54  }
0xcf: {  	v60 =	vld.idx.msk [tilespmem:v33+s16+$0x0], $0xffff;
	v36 =	vmul.u32 v23, v55  }
0xd0: {  	v37 =	vmul.u32 v24, v56;
	v34 =	vadd.s32 v35, v34  }
0xd1: {  	v61 =	vmul.u32 v26, v57;
	v34 =	vadd.s32 v36, v34  }
0xd2: {  	v62 =	vmul.u32 v27, v58;
	v34 =	vadd.s32 v37, v34  }
0xd3: {  	v63 =	vmul.u32 v28, v59;
	v34 =	vadd.s32 v61, v34  }
0xd4: {  	v39 =	vmul.u32 v30, v60;
	v34 =	vadd.s32 v62, v34  }
0xd5: {  	v34 =	vadd.s32 v63, v34  }
0xd6: {  	v34 =	vadd.s32 v39, v34  }
0xd7: {  	v34 =	vadd.s32 $0x30, v34;
	_ =	sdelay $0x4  }
0xd8: {  	v34 =	vld.idx.msk [tilespmem:v34+s2+$0x0], $0xffff;
	_ =	sdelay $0x4  }
0xd9: {  	v40 =	vand.u32 v19, v34  }
0xda: {  	v41 =	vand.u32 v22, v34;
	vm12 =	vne.s32 v40, $0x0  }
0xdb: {  	v43 =	vand.u32 v23, v34;
	vm13 =	vne.s32 v41, $0x0;
	v42 =	vsel vm12, $0x1, v17  }
0xdc: {  	v45 =	vand.u32 v24, v34;
	vm14 =	vne.s32 v43, $0x0;
	v44 =	vsel vm13, $0x1, v17;
	[tilespmem:v18+s16+$0x0] =	vst.idx.msk $0xffff, v42  }
0xdd: {  	v47 =	vand.u32 v26, v34;
	vm15 =	vne.s32 v45, $0x0;
	v46 =	vsel vm14, $0x1, v17;
	[tilespmem:v20+s16+$0x0] =	vst.idx.msk $0xffff, v44  }
0xde: {  	v49 =	vand.u32 v27, v34;
	vm4 =	vne.s32 v47, $0x0;
	v48 =	vsel vm15, $0x1, v17;
	[tilespmem:v21+s16+$0x0] =	vst.idx.msk $0xffff, v46  }
0xdf: {  	v51 =	vand.u32 v28, v34;
	vm5 =	vne.s32 v49, $0x0;
	v50 =	vsel vm4, $0x1, v17;
	[tilespmem:v25+s16+$0x0] =	vst.idx.msk $0xffff, v48  }
0xe0: {  	v34 =	vand.u32 v30, v34;
	vm6 =	vne.s32 v51, $0x0;
	v52 =	vsel vm5, $0x1, v17;
	[tilespmem:v29+s16+$0x0] =	vst.idx.msk $0xffff, v50  }
0xe1: {  	vm7 =	vne.s32 v34, $0x0;
	v35 =	vsel vm6, $0x1, v17;
	[tilespmem:v31+s16+$0x0] =	vst.idx.msk $0xffff, v52  }
0xe2: {  	v34 =	vsel vm7, $0x1, v17;
	[tilespmem:v32+s16+$0x0] =	vst.idx.msk $0xffff, v35  }
0xe3: {  	s3 =	sadd.s32 $0xC00, s19;
	s1 =	simm.s32 @!p0 $0xA;
	[tilespmem:v33+s16+$0x0] =	vst.idx.msk $0xffff, v34  }
0xe4: {  	[hbm4b:s3+s2] =	stream.linear.scatter [tilespmem:s16], [sflag:$0xC], $0x2000, $0x38;
	[tilespmem:$0x10180] =	vst v63  }
0xe5: {  	_ =	swait.ge @!p0 [sflag:s1], $0x2000  }
0xe6: {  	[sflag:s1] =	ssyncset.done @!p0 $0x0  }
0xe7: {  	s3 =	simm.s32 @!p0 $0x2180;
	[sflag:s1] =	ssyncadd.s32 @!p0 $0xFFFFE000;
	s1 =	sadd.s32 @!p0 $0x2400, s31  }
0xe8: {  	[tilespmem:s3], [sflag:$0x2] =	stream.linear.gather @!p0 [hbm4b:s1+s0], $0x2000, $0x38;
	[tilespmem:$0x10180] =	vst v63  }
0xe9: {  	_ =	swait.ge [sflag:s26], $0x2000  }
0xea: {  	[sflag:s26] =	ssyncset.done $0x0  }
0xeb: {  	[sflag:s26] =	ssyncadd.s32 $0xFFFFE000  }
0xec: {  	v53 =	vld.idx.msk [tilespmem:v18+s17+$0x0], $0xffff  }
0xed: {  	v54 =	vld.idx.msk [tilespmem:v20+s17+$0x0], $0xffff  }
0xee: {  	v55 =	vld.idx.msk [tilespmem:v21+s17+$0x0], $0xffff  }
0xef: {  	v56 =	vld.idx.msk [tilespmem:v25+s17+$0x0], $0xffff  }
0xf0: {  	v57 =	vld.idx.msk [tilespmem:v29+s17+$0x0], $0xffff  }
0xf1: {  	v58 =	vld.idx.msk [tilespmem:v31+s17+$0x0], $0xffff  }
0xf2: {  	v59 =	vld.idx.msk [tilespmem:v32+s17+$0x0], $0xffff;
	v34 =	vmul.u32 v19, v53;
	v35 =	vmul.u32 v22, v54  }
0xf3: {  	v60 =	vld.idx.msk [tilespmem:v33+s17+$0x0], $0xffff;
	v36 =	vmul.u32 v23, v55  }
0xf4: {  	v37 =	vmul.u32 v24, v56;
	v34 =	vadd.s32 v35, v34  }
0xf5: {  	v61 =	vmul.u32 v26, v57;
	v34 =	vadd.s32 v36, v34  }
0xf6: {  	v62 =	vmul.u32 v27, v58;
	v34 =	vadd.s32 v37, v34  }
0xf7: {  	v63 =	vmul.u32 v28, v59;
	v34 =	vadd.s32 v61, v34  }
0xf8: {  	v40 =	vmul.u32 v30, v60;
	v34 =	vadd.s32 v62, v34  }
0xf9: {  	v34 =	vadd.s32 v63, v34  }
0xfa: {  	v34 =	vadd.s32 v40, v34  }
0xfb: {  	v34 =	vadd.s32 $0x30, v34;
	_ =	sdelay $0x4  }
0xfc: {  	v34 =	vld.idx.msk [tilespmem:v34+s2+$0x0], $0xffff;
	_ =	sdelay $0x4  }
0xfd: {  	v41 =	vand.u32 v19, v34  }
0xfe: {  	v42 =	vand.u32 v22, v34;
	vm8 =	vne.s32 v41, $0x0  }
0xff: {  	v44 =	vand.u32 v23, v34;
	vm9 =	vne.s32 v42, $0x0;
	v43 =	vsel vm8, $0x1, v17  }
0x100: {  	v46 =	vand.u32 v24, v34;
	vm10 =	vne.s32 v44, $0x0;
	v45 =	vsel vm9, $0x1, v17;
	[tilespmem:v18+s17+$0x0] =	vst.idx.msk $0xffff, v43  }
0x101: {  	v48 =	vand.u32 v26, v34;
	vm11 =	vne.s32 v46, $0x0;
	v47 =	vsel vm10, $0x1, v17;
	[tilespmem:v20+s17+$0x0] =	vst.idx.msk $0xffff, v45  }
0x102: {  	v50 =	vand.u32 v27, v34;
	vm12 =	vne.s32 v48, $0x0;
	v49 =	vsel vm11, $0x1, v17;
	[tilespmem:v21+s17+$0x0] =	vst.idx.msk $0xffff, v47  }
0x103: {  	v52 =	vand.u32 v28, v34;
	vm13 =	vne.s32 v50, $0x0;
	v51 =	vsel vm12, $0x1, v17;
	[tilespmem:v25+s17+$0x0] =	vst.idx.msk $0xffff, v49  }
0x104: {  	v34 =	vand.u32 v30, v34;
	vm14 =	vne.s32 v52, $0x0;
	v53 =	vsel vm13, $0x1, v17;
	[tilespmem:v29+s17+$0x0] =	vst.idx.msk $0xffff, v51  }
0x105: {  	vm15 =	vne.s32 v34, $0x0;
	v35 =	vsel vm14, $0x1, v17;
	[tilespmem:v31+s17+$0x0] =	vst.idx.msk $0xffff, v53  }
0x106: {  	v34 =	vsel vm15, $0x1, v17;
	[tilespmem:v32+s17+$0x0] =	vst.idx.msk $0xffff, v35  }
0x107: {  	s3 =	sadd.s32 $0x1000, s19;
	s1 =	simm.s32 @!p0 $0xB;
	[tilespmem:v33+s17+$0x0] =	vst.idx.msk $0xffff, v34  }
0x108: {  	[hbm4b:s3+s2] =	stream.linear.scatter [tilespmem:s17], [sflag:$0xD], $0x2000, $0x38;
	[tilespmem:$0x10180] =	vst v63  }
0x109: {  	_ =	swait.ge @!p0 [sflag:s1], $0x2000  }
0x10a: {  	[sflag:s1] =	ssyncset.done @!p0 $0x0  }
0x10b: {  	s3 =	simm.s32 @!p0 $0x4180;
	[sflag:s1] =	ssyncadd.s32 @!p0 $0xFFFFE000;
	s1 =	sadd.s32 @!p0 $0x2800, s31  }
0x10c: {  	[tilespmem:s3], [sflag:$0x3] =	stream.linear.gather @!p0 [hbm4b:s1+s0], $0x2000, $0x38;
	[tilespmem:$0x10180] =	vst v63  }
0x10d: {  	_ =	swait.ge [sflag:s28], $0x2000  }
0x10e: {  	[sflag:s28] =	ssyncset.done $0x0  }
0x10f: {  	[sflag:s28] =	ssyncadd.s32 $0xFFFFE000  }
0x110: {  	v54 =	vld.idx.msk [tilespmem:v18+s18+$0x0], $0xffff  }
0x111: {  	v55 =	vld.idx.msk [tilespmem:v20+s18+$0x0], $0xffff  }
0x112: {  	v56 =	vld.idx.msk [tilespmem:v21+s18+$0x0], $0xffff  }
0x113: {  	v57 =	vld.idx.msk [tilespmem:v25+s18+$0x0], $0xffff  }
0x114: {  	v58 =	vld.idx.msk [tilespmem:v29+s18+$0x0], $0xffff  }
0x115: {  	v59 =	vld.idx.msk [tilespmem:v31+s18+$0x0], $0xffff  }
0x116: {  	v60 =	vld.idx.msk [tilespmem:v32+s18+$0x0], $0xffff;
	v34 =	vmul.u32 v19, v54;
	v35 =	vmul.u32 v22, v55  }
0x117: {  	v61 =	vld.idx.msk [tilespmem:v33+s18+$0x0], $0xffff;
	v36 =	vmul.u32 v23, v56  }
0x118: {  	v37 =	vmul.u32 v24, v57;
	v34 =	vadd.s32 v35, v34  }
0x119: {  	v62 =	vmul.u32 v26, v58;
	v34 =	vadd.s32 v36, v34  }
0x11a: {  	v63 =	vmul.u32 v27, v59;
	v34 =	vadd.s32 v37, v34  }
0x11b: {  	v40 =	vmul.u32 v28, v60;
	v34 =	vadd.s32 v62, v34  }
0x11c: {  	v42 =	vmul.u32 v30, v61;
	v34 =	vadd.s32 v63, v34  }
0x11d: {  	v34 =	vadd.s32 v40, v34  }
0x11e: {  	v34 =	vadd.s32 v42, v34  }
0x11f: {  	v34 =	vadd.s32 $0x30, v34;
	_ =	sdelay $0x4  }
0x120: {  	v34 =	vld.idx.msk [tilespmem:v34+s2+$0x0], $0xffff;
	_ =	sdelay $0x4  }
0x121: {  	v43 =	vand.u32 v19, v34  }
0x122: {  	v44 =	vand.u32 v22, v34;
	vm4 =	vne.s32 v43, $0x0  }
0x123: {  	v46 =	vand.u32 v23, v34;
	vm5 =	vne.s32 v44, $0x0;
	v45 =	vsel vm4, $0x1, v17  }
0x124: {  	v48 =	vand.u32 v24, v34;
	vm6 =	vne.s32 v46, $0x0;
	v47 =	vsel vm5, $0x1, v17;
	[tilespmem:v18+s18+$0x0] =	vst.idx.msk $0xffff, v45  }
0x125: {  	v50 =	vand.u32 v26, v34;
	vm7 =	vne.s32 v48, $0x0;
	v49 =	vsel vm6, $0x1, v17;
	[tilespmem:v20+s18+$0x0] =	vst.idx.msk $0xffff, v47  }
0x126: {  	v52 =	vand.u32 v27, v34;
	vm8 =	vne.s32 v50, $0x0;
	v51 =	vsel vm7, $0x1, v17;
	[tilespmem:v21+s18+$0x0] =	vst.idx.msk $0xffff, v49  }
0x127: {  	v54 =	vand.u32 v28, v34;
	vm9 =	vne.s32 v52, $0x0;
	v53 =	vsel vm8, $0x1, v17;
	[tilespmem:v25+s18+$0x0] =	vst.idx.msk $0xffff, v51  }
0x128: {  	v34 =	vand.u32 v30, v34;
	vm10 =	vne.s32 v54, $0x0;
	v55 =	vsel vm9, $0x1, v17;
	[tilespmem:v29+s18+$0x0] =	vst.idx.msk $0xffff, v53  }
0x129: {  	vm11 =	vne.s32 v34, $0x0;
	v35 =	vsel vm10, $0x1, v17;
	[tilespmem:v31+s18+$0x0] =	vst.idx.msk $0xffff, v55  }
0x12a: {  	v34 =	vsel vm11, $0x1, v17;
	[tilespmem:v32+s18+$0x0] =	vst.idx.msk $0xffff, v35  }
0x12b: {  	s3 =	sadd.s32 $0x1400, s19;
	s1 =	simm.s32 @!p0 $0xC;
	[tilespmem:v33+s18+$0x0] =	vst.idx.msk $0xffff, v34  }
0x12c: {  	[hbm4b:s3+s2] =	stream.linear.scatter [tilespmem:s18], [sflag:$0xE], $0x2000, $0x38;
	[tilespmem:$0x10180] =	vst v63  }
0x12d: {  	_ =	swait.ge @!p0 [sflag:s1], $0x2000  }
0x12e: {  	[sflag:s1] =	ssyncset.done @!p0 $0x0  }
0x12f: {  	s3 =	simm.s32 @!p0 $0x6180;
	[sflag:s1] =	ssyncadd.s32 @!p0 $0xFFFFE000;
	s1 =	sadd.s32 @!p0 $0x2C00, s31  }
0x130: {  	[tilespmem:s3], [sflag:$0x4] =	stream.linear.gather @!p0 [hbm4b:s1+s0], $0x2000, $0x38;
	[tilespmem:$0x10180] =	vst v63  }
0x131: {  	_ =	swait.ge [sflag:s29], $0x2000  }
0x132: {  	[sflag:s29] =	ssyncset.done $0x0  }
0x133: {  	[sflag:s29] =	ssyncadd.s32 $0xFFFFE000  }
0x134: {  	v56 =	vld.idx.msk [tilespmem:v18+s21+$0x0], $0xffff  }
0x135: {  	v57 =	vld.idx.msk [tilespmem:v20+s21+$0x0], $0xffff  }
0x136: {  	v58 =	vld.idx.msk [tilespmem:v21+s21+$0x0], $0xffff  }
0x137: {  	v59 =	vld.idx.msk [tilespmem:v25+s21+$0x0], $0xffff  }
0x138: {  	v60 =	vld.idx.msk [tilespmem:v29+s21+$0x0], $0xffff  }
0x139: {  	v61 =	vld.idx.msk [tilespmem:v31+s21+$0x0], $0xffff  }
0x13a: {  	v62 =	vld.idx.msk [tilespmem:v32+s21+$0x0], $0xffff;
	v34 =	vmul.u32 v19, v56;
	v35 =	vmul.u32 v22, v57  }
0x13b: {  	v63 =	vld.idx.msk [tilespmem:v33+s21+$0x0], $0xffff;
	v36 =	vmul.u32 v23, v58  }
0x13c: {  	v37 =	vmul.u32 v24, v59;
	v34 =	vadd.s32 v35, v34  }
0x13d: {  	v42 =	vmul.u32 v26, v60;
	v34 =	vadd.s32 v36, v34  }
0x13e: {  	v43 =	vmul.u32 v27, v61;
	v34 =	vadd.s32 v37, v34  }
0x13f: {  	v44 =	vmul.u32 v28, v62;
	v34 =	vadd.s32 v42, v34  }
0x140: {  	v45 =	vmul.u32 v30, v63;
	v34 =	vadd.s32 v43, v34  }
0x141: {  	v34 =	vadd.s32 v44, v34  }
0x142: {  	v34 =	vadd.s32 v45, v34  }
0x143: {  	v34 =	vadd.s32 $0x30, v34;
	_ =	sdelay $0x4  }
0x144: {  	v34 =	vld.idx.msk [tilespmem:v34+s2+$0x0], $0xffff;
	_ =	sdelay $0x4  }
0x145: {  	v46 =	vand.u32 v19, v34  }
0x146: {  	v47 =	vand.u32 v22, v34;
	vm12 =	vne.s32 v46, $0x0  }
0x147: {  	v49 =	vand.u32 v23, v34;
	vm13 =	vne.s32 v47, $0x0;
	v48 =	vsel vm12, $0x1, v17  }
0x148: {  	v51 =	vand.u32 v24, v34;
	vm14 =	vne.s32 v49, $0x0;
	v50 =	vsel vm13, $0x1, v17;
	[tilespmem:v18+s21+$0x0] =	vst.idx.msk $0xffff, v48  }
0x149: {  	v53 =	vand.u32 v26, v34;
	vm15 =	vne.s32 v51, $0x0;
	v52 =	vsel vm14, $0x1, v17;
	[tilespmem:v20+s21+$0x0] =	vst.idx.msk $0xffff, v50  }
0x14a: {  	v55 =	vand.u32 v27, v34;
	vm4 =	vne.s32 v53, $0x0;
	v54 =	vsel vm15, $0x1, v17;
	[tilespmem:v21+s21+$0x0] =	vst.idx.msk $0xffff, v52  }
0x14b: {  	v57 =	vand.u32 v28, v34;
	vm5 =	vne.s32 v55, $0x0;
	v56 =	vsel vm4, $0x1, v17;
	[tilespmem:v25+s21+$0x0] =	vst.idx.msk $0xffff, v54  }
0x14c: {  	v34 =	vand.u32 v30, v34;
	vm6 =	vne.s32 v57, $0x0;
	v58 =	vsel vm5, $0x1, v17;
	[tilespmem:v29+s21+$0x0] =	vst.idx.msk $0xffff, v56  }
0x14d: {  	vm7 =	vne.s32 v34, $0x0;
	v35 =	vsel vm6, $0x1, v17;
	[tilespmem:v31+s21+$0x0] =	vst.idx.msk $0xffff, v58  }
0x14e: {  	v34 =	vsel vm7, $0x1, v17;
	[tilespmem:v32+s21+$0x0] =	vst.idx.msk $0xffff, v35  }
0x14f: {  	s3 =	sadd.s32 $0x1800, s19;
	s1 =	simm.s32 @!p0 $0xD;
	[tilespmem:v33+s21+$0x0] =	vst.idx.msk $0xffff, v34  }
0x150: {  	[hbm4b:s3+s2] =	stream.linear.scatter [tilespmem:s21], [sflag:$0xF], $0x2000, $0x38;
	[tilespmem:$0x10180] =	vst v63  }
0x151: {  	_ =	swait.ge @!p0 [sflag:s1], $0x2000  }
0x152: {  	[sflag:s1] =	ssyncset.done @!p0 $0x0  }
0x153: {  	s3 =	simm.s32 @!p0 $0x8180;
	[sflag:s1] =	ssyncadd.s32 @!p0 $0xFFFFE000;
	s1 =	sadd.s32 @!p0 $0x3000, s31  }
0x154: {  	[tilespmem:s3], [sflag:$0x5] =	stream.linear.gather @!p0 [hbm4b:s1+s0], $0x2000, $0x38;
	[tilespmem:$0x10180] =	vst v63  }
0x155: {  	_ =	swait.ge [sflag:s30], $0x2000  }
0x156: {  	[sflag:s30] =	ssyncset.done $0x0  }
0x157: {  	[sflag:s30] =	ssyncadd.s32 $0xFFFFE000  }
0x158: {  	v59 =	vld.idx.msk [tilespmem:v18+s23+$0x0], $0xffff  }
0x159: {  	v60 =	vld.idx.msk [tilespmem:v20+s23+$0x0], $0xffff  }
0x15a: {  	v61 =	vld.idx.msk [tilespmem:v21+s23+$0x0], $0xffff  }
0x15b: {  	v62 =	vld.idx.msk [tilespmem:v25+s23+$0x0], $0xffff  }
0x15c: {  	v63 =	vld.idx.msk [tilespmem:v29+s23+$0x0], $0xffff  }
0x15d: {  	v44 =	vld.idx.msk [tilespmem:v31+s23+$0x0], $0xffff  }
0x15e: {  	v45 =	vld.idx.msk [tilespmem:v32+s23+$0x0], $0xffff;
	v34 =	vmul.u32 v19, v59;
	v35 =	vmul.u32 v22, v60  }
0x15f: {  	v46 =	vld.idx.msk [tilespmem:v33+s23+$0x0], $0xffff;
	v36 =	vmul.u32 v23, v61  }
0x160: {  	v37 =	vmul.u32 v24, v62;
	v34 =	vadd.s32 v35, v34  }
0x161: {  	v47 =	vmul.u32 v26, v63;
	v34 =	vadd.s32 v36, v34  }
0x162: {  	v48 =	vmul.u32 v27, v44;
	v34 =	vadd.s32 v37, v34  }
0x163: {  	v49 =	vmul.u32 v28, v45;
	v34 =	vadd.s32 v47, v34  }
0x164: {  	v50 =	vmul.u32 v30, v46;
	v34 =	vadd.s32 v48, v34  }
0x165: {  	v34 =	vadd.s32 v49, v34  }
0x166: {  	v34 =	vadd.s32 v50, v34  }
0x167: {  	v34 =	vadd.s32 $0x30, v34;
	_ =	sdelay $0x4  }
0x168: {  	v34 =	vld.idx.msk [tilespmem:v34+s2+$0x0], $0xffff;
	_ =	sdelay $0x4  }
0x169: {  	v51 =	vand.u32 v19, v34  }
0x16a: {  	v52 =	vand.u32 v22, v34;
	vm8 =	vne.s32 v51, $0x0  }
0x16b: {  	v54 =	vand.u32 v23, v34;
	vm9 =	vne.s32 v52, $0x0;
	v53 =	vsel vm8, $0x1, v17  }
0x16c: {  	v56 =	vand.u32 v24, v34;
	vm10 =	vne.s32 v54, $0x0;
	v55 =	vsel vm9, $0x1, v17;
	[tilespmem:v18+s23+$0x0] =	vst.idx.msk $0xffff, v53  }
0x16d: {  	v58 =	vand.u32 v26, v34;
	vm11 =	vne.s32 v56, $0x0;
	v57 =	vsel vm10, $0x1, v17;
	[tilespmem:v20+s23+$0x0] =	vst.idx.msk $0xffff, v55  }
0x16e: {  	v60 =	vand.u32 v27, v34;
	vm12 =	vne.s32 v58, $0x0;
	v59 =	vsel vm11, $0x1, v17;
	[tilespmem:v21+s23+$0x0] =	vst.idx.msk $0xffff, v57  }
0x16f: {  	v62 =	vand.u32 v28, v34;
	vm13 =	vne.s32 v60, $0x0;
	v61 =	vsel vm12, $0x1, v17;
	[tilespmem:v25+s23+$0x0] =	vst.idx.msk $0xffff, v59  }
.Ltmp2:
0x170: {  	v34 =	vand.u32 v30, v34;
	vm14 =	vne.s32 v62, $0x0;
	v63 =	vsel vm13, $0x1, v17;
	[tilespmem:v29+s23+$0x0] =	vst.idx.msk $0xffff, v61;
	(pc) =	sbr.rel @p0 .LBB2_4-.Ltmp2, $4  }
0x171: {  	vm15 =	vne.s32 v34, $0x0;
	v35 =	vsel vm14, $0x1, v17;
	[tilespmem:v31+s23+$0x0] =	vst.idx.msk $0xffff, v63  }
0x172: {  	v34 =	vsel vm15, $0x1, v17;
	[tilespmem:v32+s23+$0x0] =	vst.idx.msk $0xffff, v35  }
0x173: {  	s31 =	sadd.s32 $0x1C00, s19;
	[tilespmem:v33+s23+$0x0] =	vst.idx.msk $0xffff, v34  }
0x174: {  	[hbm4b:s31+s2] =	stream.linear.scatter [tilespmem:s23], [sflag:$0x10], $0x2000, $0x38;
	[tilespmem:$0x10180] =	vst v63  }
.Ltmp3:
0x175: {  	(pc) =	sbr.rel .LBB2_2-.Ltmp3, $4  }
0x176: {  	_ =	swait.ge [sflag:s6], $0x2000  }
0x177: {  	[sflag:s6] =	ssyncset.done $0x0  }
0x178: {  	s0 =	sadd.s32 $0x3400, s4;
	s10 =	sadd.s32 $0x2000, s10;
	[sflag:s6] =	ssyncadd.s32 $0xFFFFE000  }
0x179: {  	[tilespmem:s18], [sflag:$0x6] =	stream.linear.gather [hbm4b:s0+s2], $0x2000, $0x38;
	[tilespmem:$0x10180] =	vst v63  }
.LBB2_5:
0x17a: {  	_ =	sfence.sel $0x180000  }
0x17b: {  	[bflag:$0x0] =	sbarrier.arrive $0xFFFF  }
0x17c: {  	_ =	strace $0x90000047  }
0x17d: {  	s0 =	stileid.u32;
	[bflag:$0x2] =	sbarrier.arrive $0xFFFF  }
0x17e: {  	p0 =	sne.s32 s0, $0x0;
	s0 =	rddreg [dreg:$0x3]  }
0x17f: {  	s0 =	sadd.s32 @!p0 $0x100000, s0  }
0x180: {  	[sflag:s0] =	ssyncadd.tile.s32 @!p0 $0x1;
	_ =	shalt  }
.Lfunc_end2:
_tile_overlayer_lowered:
.L_overlay_start_2:
0x181: {  	(tag) =	ssettag $0x2  }
0x182: {  	s0 =	rddreg [dreg:$0x0];
	s2 =	stileid.u32  }
0x183: {  	s1 =	rddreg [dreg:$0x1];
	p0 =	sne.s32 s2, $0x0  }
0x184: {  	s3 =	rddreg [dreg:$0x2];
	[bflag:$0x3] =	sbarrier.arrive $0xFFFF;
	s2 =	simm.s32 @!p0 $0x1C11  }
0x185: {  	[timem:s3], [sflag:s2] =	dma.local @!p0 [hbm:s0], s1  }
0x186: {  	s0 =	simm.s32 @!p0 $0x11  }
0x187: {  	_ =	swait.ge @!p0 [sflag:s0], s1  }
0x188: {  	s1 =	ssub.s32 @!p0 $0x0, s1;
	[sflag:s0] =	ssyncset.done @!p0 $0x0  }
0x189: {  	[sflag:s0] =	ssyncadd.s32 @!p0 s1  }
0x18a: {  	[bflag:$0x3] =	sbarrier.arrive $0xFFFF  }
0x18b: {  	_ =	shalt  }

</sc_bundles>
